<compile_context>
chip_gen: v7x
topology: tpu7x:2x2x1
jax: 0.10.2.dev20260603
libtpu: 0.0.44.dev20260713+nightly
codegen_flags: <defaults>
</compile_context>

<pallas_src>
import functools
import math

import jax
import jax.numpy as jnp
from jax import lax
from jax.experimental import pallas as pl
from jax.experimental.pallas import tpu as pltpu
from jax.experimental.pallas import tpu_sc as plsc

N = 100000
E = 3200000
N_BASIS = 16
HIDDEN = 64
N_ELEMS = 119
CUTOFF = 5.0

NC = 2
NS = 16
NW = NC * NS

EPT = E // NW
BLK = 800
NBLK = EPT // BLK
NGRP = BLK // 16
NPAD = 100096
ROWS_PER_TILE = NPAD // NS

_COS_COEFFS = [(-1.0) ** k / math.factorial(2 * k) for k in range(9)]

_DD = CUTOFF / (N_BASIS - 1)
_RC = [math.exp(-2.0 * _DD * _DD * (2 * k + 1)) for k in range(N_BASIS - 1)]

_BN = 6256
_NB = NPAD // _BN


def _sc_body(rp, ii, ij, zz, out, gm, ibuf, jbuf, ri, rj, sem1, sem2):
  c = lax.axis_index("c")
  s = lax.axis_index("s")
  wid = c * NS + s
  base0 = wid * EPT
  lane = lax.iota(jnp.int32, 16)

  def gather_start(blk):
    base = base0 + blk * BLK
    pltpu.sync_copy(ii.at[pl.ds(base, BLK)], ibuf)
    pltpu.sync_copy(ij.at[pl.ds(base, BLK)], jbuf)
    pltpu.async_copy(rp.at[ibuf], ri, sem1)
    pltpu.async_copy(rp.at[jbuf], rj, sem2)

  gather_start(0)
  pltpu.sync_copy(zz, gm.at[pl.ds(s * ROWS_PER_TILE, ROWS_PER_TILE)])
  plsc.subcore_barrier()

  def blk_body(blk, carry):
    pltpu.make_async_copy(rp.at[ibuf], ri, sem1).wait()
    pltpu.make_async_copy(rp.at[jbuf], rj, sem2).wait()
    riq = ri
    rjq = rj

    def edge_group(row):
      col0 = jnp.zeros((16,), jnp.int32)
      col1 = jnp.full((16,), 1, jnp.int32)
      col2 = jnp.full((16,), 2, jnp.int32)
      xi = plsc.load_gather(riq, [row, col0])
      yi = plsc.load_gather(riq, [row, col1])
      zi = plsc.load_gather(riq, [row, col2])
      xj = plsc.load_gather(rjq, [row, col0])
      yj = plsc.load_gather(rjq, [row, col1])
      zj = plsc.load_gather(rjq, [row, col2])
      dx = xj - xi
      dy = yj - yi
      dz = zj - zi
      d2 = dx * dx + dy * dy + dz * dz + 1e-12
      d2 = jnp.minimum(d2, 1e8)
      r0 = plsc.bitcast(
          jnp.int32(0x5F3759DF) - (plsc.bitcast(d2, jnp.int32) >> 1),
          jnp.float32)
      hd = 0.5 * d2
      r0 = r0 * (1.5 - hd * r0 * r0)
      r0 = r0 * (1.5 - hd * r0 * r0)
      dist = d2 * (r0 * (1.5 - hd * r0 * r0))
      t = dist * (math.pi / CUTOFF)
      u = t * t
      p = jnp.float32(_COS_COEFFS[-1])
      for coef in _COS_COEFFS[-2::-1]:
        p = p * u + jnp.float32(coef)
      fc = 0.5 * p + 0.5
      fc = jnp.where(dist < CUTOFF, fc, 0.0)
      for k in range(N_BASIS):
        mu_k = CUTOFF * k / (N_BASIS - 1)
        tt = dist - mu_k
        v = jnp.exp(tt * tt * (-2.0)) * fc
        plsc.store_scatter(riq, [row, jnp.full((16,), k, jnp.int32)], v)

    @plsc.parallel_loop(0, NGRP, unroll=5)
    def _(g):
      edge_group(g * 16 + lane)
    pltpu.sync_copy(ri, gm.at[ibuf], add=True)

    @pl.when(blk + 1 < NBLK)
    def _():
      gather_start(blk + 1)

    return carry

  lax.fori_loop(0, NBLK, blk_body, 0)
  plsc.subcore_barrier()
  pltpu.sync_copy(
      gm.at[pl.ds(s * ROWS_PER_TILE, ROWS_PER_TILE)],
      out.at[c, pl.ds(s * ROWS_PER_TILE, ROWS_PER_TILE)])


_sc_call = functools.partial(
    pl.kernel,
    out_type=jax.ShapeDtypeStruct((NC, NPAD, N_BASIS), jnp.float32),
    mesh=plsc.VectorSubcoreMesh(
        core_axis_name="c", subcore_axis_name="s", num_cores=NC,
        num_subcores=NS),
    compiler_params=pltpu.CompilerParams(
        needs_layout_passes=False, use_tc_tiling_on_sc=False),
    scratch_types=[
        pltpu.VMEM_SHARED((NPAD, N_BASIS), jnp.float32),
        pltpu.VMEM((BLK,), jnp.int32),
        pltpu.VMEM((BLK,), jnp.int32),
        pltpu.VMEM((BLK, N_BASIS), jnp.float32),
        pltpu.VMEM((BLK, N_BASIS), jnp.float32),
        pltpu.SemaphoreType.DMA,
        pltpu.SemaphoreType.DMA,
    ],
)(_sc_body)


def _tc_body(g0, g1, z3, w1, b1, w2, b2, sc, sh, out):
  i = pl.program_id(0)
  gm = g0[0] + g1[0]
  h = jnp.dot(gm, w1[...], preferred_element_type=jnp.float32) + b1[...]
  h = h * jax.nn.sigmoid(h)
  atomic = jnp.dot(h, w2[...], preferred_element_type=jnp.float32) + b2[0, 0]
  z = z3[0, 0, :]
  oh = (z[:, None] == lax.broadcasted_iota(jnp.int32, (_BN, 128), 1))
  oh = oh.astype(jnp.float32)
  scv = jnp.dot(oh, sc[...], preferred_element_type=jnp.float32)
  shv = jnp.dot(oh, sh[...], preferred_element_type=jnp.float32)
  per_atom = atomic * scv + shv
  per_atom = jnp.where(z[:, None] > 0, per_atom, 0.0)
  part = jnp.sum(per_atom)

  @pl.when(i == 0)
  def _():
    out[0, 0] = 0.0

  out[0, 0] += part


def _tc_call(gm2, z3, w1, b1, w2, b2, sc, sh):
  return pl.pallas_call(
      _tc_body,
      grid=(_NB,),
      in_specs=[
          pl.BlockSpec((1, _BN, N_BASIS), lambda i: (0, i, 0)),
          pl.BlockSpec((1, _BN, N_BASIS), lambda i: (1, i, 0)),
          pl.BlockSpec((1, 1, _BN), lambda i: (i, 0, 0)),
          pl.BlockSpec((N_BASIS, HIDDEN), lambda i: (0, 0)),
          pl.BlockSpec((1, HIDDEN), lambda i: (0, 0)),
          pl.BlockSpec((HIDDEN, 1), lambda i: (0, 0)),
          pl.BlockSpec((1, 1), lambda i: (0, 0)),
          pl.BlockSpec((128, 1), lambda i: (0, 0)),
          pl.BlockSpec((128, 1), lambda i: (0, 0)),
      ],
      out_specs=pl.BlockSpec(
          (1, 1), lambda i: (0, 0), memory_space=pltpu.SMEM),
      out_shape=jax.ShapeDtypeStruct((1, 1), jnp.float32),
  )(gm2, gm2, z3, w1, b1, w2, b2, sc, sh)


def kernel(R, Z, neighbor, box, offsets, W1, b1, W2, b2, scale, shift):
  rp = jnp.pad(R.astype(jnp.float32), ((0, 0), (0, N_BASIS - 3)))
  ii = neighbor[0].astype(jnp.int32)
  ij = neighbor[1].astype(jnp.int32)
  zz = jnp.zeros((ROWS_PER_TILE, N_BASIS), jnp.float32)

  gm2 = _sc_call(rp, ii, ij, zz)

  zp = jnp.pad(Z.astype(jnp.int32), (0, NPAD - N))
  z3 = zp.reshape(_NB, 1, _BN)
  scp = jnp.zeros((128, 1), jnp.float32).at[:N_ELEMS, 0].set(scale)
  shp = jnp.zeros((128, 1), jnp.float32).at[:N_ELEMS, 0].set(shift)
  out = _tc_call(gm2, z3, W1, b1.reshape(1, HIDDEN), W2, b2.reshape(1, 1),
                 scp, shp)
  return out[0, 0]

# --- scband reference (transcript-rebuilt; emitter-appended) ---
"""Pipeline reference for scband-energy-model-24773371364102 (READ-ONLY COPY).

The authoritative reference and input builder live on the scoring server;
editing this copy changes nothing except your own understanding.
"""

import jax, jax.numpy as jnp
import numpy as np

N = 100000
E = 3200000
N_BASIS = 16
HIDDEN = 64
N_ELEMS = 119
CUTOFF = 5.0


def setup_inputs(seed: int = 0) -> dict:
    key = jax.random.key(seed)
    ks = jax.random.split(key, 8)
    R = jax.random.normal(ks[0], (N, 3), dtype=jnp.float32) * 5.0
    Z = jax.random.randint(ks[1], (N,), 0, N_ELEMS)
    neighbor = jax.random.randint(ks[2], (2, E), 0, N)
    box = jnp.zeros((3,), jnp.float32)
    offsets = jnp.zeros((E, 3), jnp.float32)
    # learned parameters: readout MLP + per-element scale/shift
    W1 = jax.random.normal(ks[3], (N_BASIS, HIDDEN), dtype=jnp.float32) * 0.1
    b1 = jnp.zeros((HIDDEN,), jnp.float32)
    W2 = jax.random.normal(ks[4], (HIDDEN, 1), dtype=jnp.float32) * 0.1
    b2 = jnp.zeros((1,), jnp.float32)
    scale = jnp.ones((N_ELEMS,), jnp.float32)
    shift = jnp.zeros((N_ELEMS,), jnp.float32)
    return {"R": R, "Z": Z, "neighbor": neighbor, "box": box, "offsets": offsets,
            "W1": W1, "b1": b1, "W2": W2, "b2": b2, "scale": scale, "shift": shift}


def reference(R, Z, neighbor, box, offsets, W1, b1, W2, b2, scale, shift):
    # canonicalize neighbors -> idx array [2, E]
    idx_i = neighbor[0]
    idx_j = neighbor[1]
    # gather endpoint positions (memory-bound gathers)
    Ri = jnp.take(R, idx_i, axis=0)
    Rj = jnp.take(R, idx_j, axis=0)
    # init_box ~ 0 -> free-space displacement (offsets/box unused in this branch)
    dr_vec = Rj - Ri
    # descriptor: radial Gaussian basis with cosine cutoff, scatter-added per atom
    dist = jnp.sqrt(jnp.sum(dr_vec * dr_vec, axis=-1) + 1e-12)
    mu = jnp.linspace(0.0, CUTOFF, N_BASIS)
    basis = jnp.exp(-((dist[:, None] - mu[None, :]) ** 2) / 0.5)
    fcut = 0.5 * (jnp.cos(jnp.pi * dist / CUTOFF) + 1.0) * (dist < CUTOFF).astype(dist.dtype)
    edge_feat = basis * fcut[:, None]
    gm = jax.ops.segment_sum(edge_feat, idx_i, num_segments=N)
    # per-atom readout MLP (vmapped readout == batched matmul)
    h = jax.nn.swish(gm @ W1 + b1)
    atomic = h @ W2 + b2
    # per-element scale/shift (embedding-style gather by Z)
    per_atom = atomic[:, 0] * jnp.take(scale, Z) + jnp.take(shift, Z)
    # mask padding atoms (Z == 0)
    per_atom = jnp.where(Z > 0, per_atom, jnp.zeros_like(per_atom))
    # fp64-style sum of atomic energies
    total_energy = jnp.sum(per_atom)
    return total_energy

if __name__ == "__main__":
    import jax
    _d = setup_inputs()
    print(jax.jit(kernel)(*tuple(_d.values())))

</pallas_src>

<mosaic_0001>
#map = affine_map<(d0, d1) -> (0, 0)>
#map1 = affine_map<(d0, d1) -> (0)>
#map2 = affine_map<(d0, d1) -> (0, 0, 0)>
module attributes {stable_mosaic.version = 14 : i64} {
  func.func @_sc_body(%arg0: i32, %arg1: i32, %arg2: memref<100000x16xf32, #tpu.memory_space<hbm>>, %arg3: memref<3200000xi32, #tpu.memory_space<hbm>>, %arg4: memref<3200000xi32, #tpu.memory_space<hbm>>, %arg5: memref<6256x16xf32, #tpu.memory_space<hbm>>, %arg6: memref<2x100096x16xf32, #tpu.memory_space<hbm>>, %arg7: memref<100096x16xf32, #tpu.memory_space<vmem_shared>>, %arg8: memref<800xi32, #tpu.memory_space<vmem>>, %arg9: memref<800xi32, #tpu.memory_space<vmem>>, %arg10: memref<800x16xf32, #tpu.memory_space<vmem>>, %arg11: memref<800x16xf32, #tpu.memory_space<vmem>>, %arg12: memref<!tpu.dma_semaphore, #tpu.memory_space<semaphore_mem>>, %arg13: memref<!tpu.dma_semaphore, #tpu.memory_space<semaphore_mem>>) attributes {dimension_semantics = [#tpu.dimension_semantics<core_parallel>, #tpu.dimension_semantics<subcore_parallel>], iteration_bounds = array<i64: 2, 16>, scalar_prefetch = 0 : i64, scratch_operands = 7 : i64, tpu.core_type = #tpu.core_type<sc_vector_subcore>, window_params = [{transform_indices = #map}, {transform_indices = #map1}, {transform_indices = #map1}, {transform_indices = #map}, {transform_indices = #map2}]} {
    %mul3A = arith.constant 16 : i32
    %mul3A_0 = arith.muli %arg0, %mul3A : i32
    %add3A = arith.addi %mul3A_0, %arg1 : i32
    %mul3A_1 = arith.constant 100000 : i32
    %mul3A_2 = arith.muli %add3A, %mul3A_1 : i32
    %iota3A = tpu.iota {dimensions = array<i32: 0>} : vector<16xi32>
    %add3A_3 = arith.constant 0 : i32
    %add3A_4 = arith.addi %mul3A_2, %add3A_3 : i32
    "tpu.region"() ({
      %run_scoped3A = tpu.sem_alloc : memref<!tpu.dma_semaphore, #tpu.memory_space<semaphore_mem>>
      %dma_start3A_22 = tpu.memref_slice %arg3[%add3A_4] : memref<3200000xi32, #tpu.memory_space<hbm>> -> memref<800xi32, #tpu.memory_space<hbm>>
      %dma_start3A_23 = tpu.memref_slice %arg3[%add3A_4] : memref<3200000xi32, #tpu.memory_space<hbm>> -> memref<800xi32, #tpu.memory_space<hbm>>
      tpu.enqueue_dma source(%dma_start3A_23 : memref<800xi32, #tpu.memory_space<hbm>>) target(%arg8 : memref<800xi32, #tpu.memory_space<vmem>>) target_semaphore(%run_scoped3A : memref<!tpu.dma_semaphore, #tpu.memory_space<semaphore_mem>>)
      %dma_wait3A = tpu.memref_slice %arg3[%add3A_4] : memref<3200000xi32, #tpu.memory_space<hbm>> -> memref<800xi32, #tpu.memory_space<hbm>>
      %dma_wait3A_24 = tpu.memref_slice %arg3[%add3A_4] : memref<3200000xi32, #tpu.memory_space<hbm>> -> memref<800xi32, #tpu.memory_space<hbm>>
      tpu.wait_dma2 semaphore(%run_scoped3A : memref<!tpu.dma_semaphore, #tpu.memory_space<semaphore_mem>>) src(%dma_wait3A_24 : memref<800xi32, #tpu.memory_space<hbm>>) dst(%arg8 : memref<800xi32, #tpu.memory_space<vmem>>)
      tpu.yield
    }) : () -> ()
    "tpu.region"() ({
      %run_scoped3A = tpu.sem_alloc : memref<!tpu.dma_semaphore, #tpu.memory_space<semaphore_mem>>
      %dma_start3A_22 = tpu.memref_slice %arg4[%add3A_4] : memref<3200000xi32, #tpu.memory_space<hbm>> -> memref<800xi32, #tpu.memory_space<hbm>>
      %dma_start3A_23 = tpu.memref_slice %arg4[%add3A_4] : memref<3200000xi32, #tpu.memory_space<hbm>> -> memref<800xi32, #tpu.memory_space<hbm>>
      tpu.enqueue_dma source(%dma_start3A_23 : memref<800xi32, #tpu.memory_space<hbm>>) target(%arg9 : memref<800xi32, #tpu.memory_space<vmem>>) target_semaphore(%run_scoped3A : memref<!tpu.dma_semaphore, #tpu.memory_space<semaphore_mem>>)
      %dma_wait3A = tpu.memref_slice %arg4[%add3A_4] : memref<3200000xi32, #tpu.memory_space<hbm>> -> memref<800xi32, #tpu.memory_space<hbm>>
      %dma_wait3A_24 = tpu.memref_slice %arg4[%add3A_4] : memref<3200000xi32, #tpu.memory_space<hbm>> -> memref<800xi32, #tpu.memory_space<hbm>>
      tpu.wait_dma2 semaphore(%run_scoped3A : memref<!tpu.dma_semaphore, #tpu.memory_space<semaphore_mem>>) src(%dma_wait3A_24 : memref<800xi32, #tpu.memory_space<hbm>>) dst(%arg9 : memref<800xi32, #tpu.memory_space<vmem>>)
      tpu.yield
    }) : () -> ()
    %dma_start3A = arith.constant 0 : i32
    %dma_start3A_5 = arith.constant 0 : i32
    %dma_start3A_6 = tpu.memref_slice %arg2[%dma_start3A, %dma_start3A_5] : memref<100000x16xf32, #tpu.memory_space<hbm>> -> memref<100000x16xf32, #tpu.memory_space<hbm>>
    tpu.enqueue_indirect_dma source(%dma_start3A_6 : memref<100000x16xf32, #tpu.memory_space<hbm>>) target(%arg10 : memref<800x16xf32, #tpu.memory_space<vmem>>) offsets(%arg8 : memref<800xi32, #tpu.memory_space<vmem>>) semaphore(%arg12 : memref<!tpu.dma_semaphore, #tpu.memory_space<semaphore_mem>>)
    %dma_start3A_7 = arith.constant 0 : i32
    %dma_start3A_8 = arith.constant 0 : i32
    %dma_start3A_9 = tpu.memref_slice %arg2[%dma_start3A_7, %dma_start3A_8] : memref<100000x16xf32, #tpu.memory_space<hbm>> -> memref<100000x16xf32, #tpu.memory_space<hbm>>
    tpu.enqueue_indirect_dma source(%dma_start3A_9 : memref<100000x16xf32, #tpu.memory_space<hbm>>) target(%arg11 : memref<800x16xf32, #tpu.memory_space<vmem>>) offsets(%arg9 : memref<800xi32, #tpu.memory_space<vmem>>) semaphore(%arg13 : memref<!tpu.dma_semaphore, #tpu.memory_space<semaphore_mem>>)
    %mul3A_10 = arith.constant 6256 : i32
    %mul3A_11 = arith.muli %arg1, %mul3A_10 : i32
    "tpu.region"() ({
      %run_scoped3A = tpu.sem_alloc : memref<!tpu.dma_semaphore, #tpu.memory_space<semaphore_mem>>
      %dma_start3A_22 = arith.constant 0 : i32
      %dma_start3A_23 = tpu.memref_slice %arg7[%mul3A_11, %dma_start3A_22] : memref<100096x16xf32, #tpu.memory_space<vmem_shared>> -> memref<6256x16xf32, #tpu.memory_space<vmem_shared>>
      tpu.enqueue_dma source(%arg5 : memref<6256x16xf32, #tpu.memory_space<hbm>>) target(%dma_start3A_23 : memref<6256x16xf32, #tpu.memory_space<vmem_shared>>) target_semaphore(%run_scoped3A : memref<!tpu.dma_semaphore, #tpu.memory_space<semaphore_mem>>)
      %dma_wait3A = arith.constant 0 : i32
      %dma_wait3A_24 = tpu.memref_slice %arg7[%mul3A_11, %dma_wait3A] : memref<100096x16xf32, #tpu.memory_space<vmem_shared>> -> memref<6256x16xf32, #tpu.memory_space<vmem_shared>>
      tpu.wait_dma2 semaphore(%run_scoped3A : memref<!tpu.dma_semaphore, #tpu.memory_space<semaphore_mem>>) src(%arg5 : memref<6256x16xf32, #tpu.memory_space<hbm>>) dst(%dma_wait3A_24 : memref<6256x16xf32, #tpu.memory_space<vmem_shared>>)
      tpu.yield
    }) : () -> ()
    %barrier3A = arith.constant 0 : index
    tpu.barrier barrier_id(%barrier3A)
    %scan3A = arith.constant 0 : i32
    %scan3A_12 = arith.constant 0 : i32
    %scan3A_13 = arith.constant 125 : i32
    %scan3A_14 = arith.addi %scan3A_12, %scan3A_13 : i32
    %scan3A_15 = arith.constant 1 : i32
    scf.for %scan3A_22 = %scan3A_12 to %scan3A_14 step %scan3A_15  : i32 {
      %dma_wait3A = arith.constant 0 : i32
      %dma_wait3A_23 = arith.constant 0 : i32
      %dma_wait3A_24 = tpu.memref_slice %arg2[%dma_wait3A, %dma_wait3A_23] : memref<100000x16xf32, #tpu.memory_space<hbm>> -> memref<100000x16xf32, #tpu.memory_space<hbm>>
      tpu.wait_indirect_dma semaphore(%arg12 : memref<!tpu.dma_semaphore, #tpu.memory_space<semaphore_mem>>) src(%dma_wait3A_24 : memref<100000x16xf32, #tpu.memory_space<hbm>>) dst(%arg10 : memref<800x16xf32, #tpu.memory_space<vmem>>)
      %dma_wait3A_25 = arith.constant 0 : i32
      %dma_wait3A_26 = arith.constant 0 : i32
      %dma_wait3A_27 = tpu.memref_slice %arg2[%dma_wait3A_25, %dma_wait3A_26] : memref<100000x16xf32, #tpu.memory_space<hbm>> -> memref<100000x16xf32, #tpu.memory_space<hbm>>
      tpu.wait_indirect_dma semaphore(%arg13 : memref<!tpu.dma_semaphore, #tpu.memory_space<semaphore_mem>>) src(%dma_wait3A_27 : memref<100000x16xf32, #tpu.memory_space<hbm>>) dst(%arg11 : memref<800x16xf32, #tpu.memory_space<vmem>>)
      %parallel_loop3A = arith.constant 0 : i32
      %parallel_loop3A_28 = arith.constant 50 : i32
      %parallel_loop3A_29 = arith.constant 1 : i32
      scf.for %parallel_loop3A_34 = %parallel_loop3A to %parallel_loop3A_28 step %parallel_loop3A_29  : i32 {
        %parallel_loop3A_35 = arith.constant 16 : i32
        %parallel_loop3A_36 = arith.muli %parallel_loop3A_34, %parallel_loop3A_35 : i32
        %parallel_loop3A_37 = vector.broadcast %parallel_loop3A_36 : i32 to vector<16xi32>
        %parallel_loop3A_38 = arith.addi %parallel_loop3A_37, %iota3A : vector<16xi32>
        %parallel_loop3A_39 = arith.constant 0 : i32
        %parallel_loop3A_40 = vector.broadcast %parallel_loop3A_39 : i32 to vector<16xi32>
        %parallel_loop3A_41 = arith.constant 1 : i32
        %parallel_loop3A_42 = vector.broadcast %parallel_loop3A_41 : i32 to vector<16xi32>
        %parallel_loop3A_43 = arith.constant 2 : i32
        %parallel_loop3A_44 = vector.broadcast %parallel_loop3A_43 : i32 to vector<16xi32>
        %parallel_loop3A_45 = tpu.vector_load_idx %arg10[%parallel_loop3A_38, %parallel_loop3A_40] : memref<800x16xf32, #tpu.memory_space<vmem>>[vector<16xi32>, vector<16xi32>], vector<16xf32>,
        %parallel_loop3A_46 = tpu.vector_load_idx %arg10[%parallel_loop3A_38, %parallel_loop3A_42] : memref<800x16xf32, #tpu.memory_space<vmem>>[vector<16xi32>, vector<16xi32>], vector<16xf32>,
        %parallel_loop3A_47 = tpu.vector_load_idx %arg10[%parallel_loop3A_38, %parallel_loop3A_44] : memref<800x16xf32, #tpu.memory_space<vmem>>[vector<16xi32>, vector<16xi32>], vector<16xf32>,
        %parallel_loop3A_48 = tpu.vector_load_idx %arg11[%parallel_loop3A_38, %parallel_loop3A_40] : memref<800x16xf32, #tpu.memory_space<vmem>>[vector<16xi32>, vector<16xi32>], vector<16xf32>,
        %parallel_loop3A_49 = tpu.vector_load_idx %arg11[%parallel_loop3A_38, %parallel_loop3A_42] : memref<800x16xf32, #tpu.memory_space<vmem>>[vector<16xi32>, vector<16xi32>], vector<16xf32>,
        %parallel_loop3A_50 = tpu.vector_load_idx %arg11[%parallel_loop3A_38, %parallel_loop3A_44] : memref<800x16xf32, #tpu.memory_space<vmem>>[vector<16xi32>, vector<16xi32>], vector<16xf32>,
        %parallel_loop3A_51 = arith.subf %parallel_loop3A_48, %parallel_loop3A_45 : vector<16xf32>
        %parallel_loop3A_52 = arith.subf %parallel_loop3A_49, %parallel_loop3A_46 : vector<16xf32>
        %parallel_loop3A_53 = arith.subf %parallel_loop3A_50, %parallel_loop3A_47 : vector<16xf32>
        %parallel_loop3A_54 = arith.mulf %parallel_loop3A_51, %parallel_loop3A_51 : vector<16xf32>
        %parallel_loop3A_55 = arith.mulf %parallel_loop3A_52, %parallel_loop3A_52 : vector<16xf32>
        %parallel_loop3A_56 = arith.addf %parallel_loop3A_54, %parallel_loop3A_55 : vector<16xf32>
        %parallel_loop3A_57 = arith.mulf %parallel_loop3A_53, %parallel_loop3A_53 : vector<16xf32>
        %parallel_loop3A_58 = arith.addf %parallel_loop3A_56, %parallel_loop3A_57 : vector<16xf32>
        %parallel_loop3A_59 = arith.constant 9.99999996E-13 : f32
        %parallel_loop3A_60 = vector.broadcast %parallel_loop3A_59 : f32 to vector<16xf32>
        %parallel_loop3A_61 = arith.addf %parallel_loop3A_58, %parallel_loop3A_60 : vector<16xf32>
        %parallel_loop3A_62 = arith.constant 1.000000e+08 : f32
        %parallel_loop3A_63 = vector.broadcast %parallel_loop3A_62 : f32 to vector<16xf32>
        %parallel_loop3A_64 = arith.minimumf %parallel_loop3A_61, %parallel_loop3A_63 : vector<16xf32>
        %parallel_loop3A_65 = vector.bitcast %parallel_loop3A_64 : vector<16xf32> to vector<16xi32>
        %parallel_loop3A_66 = arith.constant 1 : i32
        %parallel_loop3A_67 = vector.broadcast %parallel_loop3A_66 : i32 to vector<16xi32>
        %parallel_loop3A_68 = arith.shrsi %parallel_loop3A_65, %parallel_loop3A_67 : vector<16xi32>
        %parallel_loop3A_69 = arith.constant 1597463007 : i32
        %parallel_loop3A_70 = vector.broadcast %parallel_loop3A_69 : i32 to vector<16xi32>
        %parallel_loop3A_71 = arith.subi %parallel_loop3A_70, %parallel_loop3A_68 : vector<16xi32>
        %parallel_loop3A_72 = vector.bitcast %parallel_loop3A_71 : vector<16xi32> to vector<16xf32>
        %parallel_loop3A_73 = arith.constant 5.000000e-01 : f32
        %parallel_loop3A_74 = vector.broadcast %parallel_loop3A_73 : f32 to vector<16xf32>
        %parallel_loop3A_75 = arith.mulf %parallel_loop3A_74, %parallel_loop3A_64 : vector<16xf32>
        %parallel_loop3A_76 = arith.mulf %parallel_loop3A_75, %parallel_loop3A_72 : vector<16xf32>
        %parallel_loop3A_77 = arith.mulf %parallel_loop3A_76, %parallel_loop3A_72 : vector<16xf32>
        %parallel_loop3A_78 = arith.constant 1.500000e+00 : f32
        %parallel_loop3A_79 = vector.broadcast %parallel_loop3A_78 : f32 to vector<16xf32>
        %parallel_loop3A_80 = arith.subf %parallel_loop3A_79, %parallel_loop3A_77 : vector<16xf32>
        %parallel_loop3A_81 = arith.mulf %parallel_loop3A_72, %parallel_loop3A_80 : vector<16xf32>
        %parallel_loop3A_82 = arith.mulf %parallel_loop3A_75, %parallel_loop3A_81 : vector<16xf32>
        %parallel_loop3A_83 = arith.mulf %parallel_loop3A_82, %parallel_loop3A_81 : vector<16xf32>
        %parallel_loop3A_84 = arith.constant 1.500000e+00 : f32
        %parallel_loop3A_85 = vector.broadcast %parallel_loop3A_84 : f32 to vector<16xf32>
        %parallel_loop3A_86 = arith.subf %parallel_loop3A_85, %parallel_loop3A_83 : vector<16xf32>
        %parallel_loop3A_87 = arith.mulf %parallel_loop3A_81, %parallel_loop3A_86 : vector<16xf32>
        %parallel_loop3A_88 = arith.mulf %parallel_loop3A_75, %parallel_loop3A_87 : vector<16xf32>
        %parallel_loop3A_89 = arith.mulf %parallel_loop3A_88, %parallel_loop3A_87 : vector<16xf32>
        %parallel_loop3A_90 = arith.constant 1.500000e+00 : f32
        %parallel_loop3A_91 = vector.broadcast %parallel_loop3A_90 : f32 to vector<16xf32>
        %parallel_loop3A_92 = arith.subf %parallel_loop3A_91, %parallel_loop3A_89 : vector<16xf32>
        %parallel_loop3A_93 = arith.mulf %parallel_loop3A_87, %parallel_loop3A_92 : vector<16xf32>
        %parallel_loop3A_94 = arith.mulf %parallel_loop3A_64, %parallel_loop3A_93 : vector<16xf32>
        %parallel_loop3A_95 = arith.constant 0.628318548 : f32
        %parallel_loop3A_96 = vector.broadcast %parallel_loop3A_95 : f32 to vector<16xf32>
        %parallel_loop3A_97 = arith.mulf %parallel_loop3A_94, %parallel_loop3A_96 : vector<16xf32>
        %parallel_loop3A_98 = arith.mulf %parallel_loop3A_97, %parallel_loop3A_97 : vector<16xf32>
        %parallel_loop3A_99 = arith.constant 4.77947726E-14 : f32
        %parallel_loop3A_100 = vector.broadcast %parallel_loop3A_99 : f32 to vector<16xf32>
        %parallel_loop3A_101 = arith.mulf %parallel_loop3A_100, %parallel_loop3A_98 : vector<16xf32>
        %parallel_loop3A_102 = arith.constant -1.14707454E-11 : f32
        %parallel_loop3A_103 = vector.broadcast %parallel_loop3A_102 : f32 to vector<16xf32>
        %parallel_loop3A_104 = arith.addf %parallel_loop3A_101, %parallel_loop3A_103 : vector<16xf32>
        %parallel_loop3A_105 = arith.mulf %parallel_loop3A_104, %parallel_loop3A_98 : vector<16xf32>
        %parallel_loop3A_106 = arith.constant 2.08767559E-9 : f32
        %parallel_loop3A_107 = vector.broadcast %parallel_loop3A_106 : f32 to vector<16xf32>
        %parallel_loop3A_108 = arith.addf %parallel_loop3A_105, %parallel_loop3A_107 : vector<16xf32>
        %parallel_loop3A_109 = arith.mulf %parallel_loop3A_108, %parallel_loop3A_98 : vector<16xf32>
        %parallel_loop3A_110 = arith.constant -2.755732E-7 : f32
        %parallel_loop3A_111 = vector.broadcast %parallel_loop3A_110 : f32 to vector<16xf32>
        %parallel_loop3A_112 = arith.addf %parallel_loop3A_109, %parallel_loop3A_111 : vector<16xf32>
        %parallel_loop3A_113 = arith.mulf %parallel_loop3A_112, %parallel_loop3A_98 : vector<16xf32>
        %parallel_loop3A_114 = arith.constant 2.48015876E-5 : f32
        %parallel_loop3A_115 = vector.broadcast %parallel_loop3A_114 : f32 to vector<16xf32>
        %parallel_loop3A_116 = arith.addf %parallel_loop3A_113, %parallel_loop3A_115 : vector<16xf32>
        %parallel_loop3A_117 = arith.mulf %parallel_loop3A_116, %parallel_loop3A_98 : vector<16xf32>
        %parallel_loop3A_118 = arith.constant -0.00138888892 : f32
        %parallel_loop3A_119 = vector.broadcast %parallel_loop3A_118 : f32 to vector<16xf32>
        %parallel_loop3A_120 = arith.addf %parallel_loop3A_117, %parallel_loop3A_119 : vector<16xf32>
        %parallel_loop3A_121 = arith.mulf %parallel_loop3A_120, %parallel_loop3A_98 : vector<16xf32>
        %parallel_loop3A_122 = arith.constant 0.0416666679 : f32
        %parallel_loop3A_123 = vector.broadcast %parallel_loop3A_122 : f32 to vector<16xf32>
        %parallel_loop3A_124 = arith.addf %parallel_loop3A_121, %parallel_loop3A_123 : vector<16xf32>
        %parallel_loop3A_125 = arith.mulf %parallel_loop3A_124, %parallel_loop3A_98 : vector<16xf32>
        %parallel_loop3A_126 = arith.constant -5.000000e-01 : f32
        %parallel_loop3A_127 = vector.broadcast %parallel_loop3A_126 : f32 to vector<16xf32>
        %parallel_loop3A_128 = arith.addf %parallel_loop3A_125, %parallel_loop3A_127 : vector<16xf32>
        %parallel_loop3A_129 = arith.mulf %parallel_loop3A_128, %parallel_loop3A_98 : vector<16xf32>
        %parallel_loop3A_130 = arith.constant 1.000000e+00 : f32
        %parallel_loop3A_131 = vector.broadcast %parallel_loop3A_130 : f32 to vector<16xf32>
        %parallel_loop3A_132 = arith.addf %parallel_loop3A_129, %parallel_loop3A_131 : vector<16xf32>
        %parallel_loop3A_133 = arith.constant 5.000000e-01 : f32
        %parallel_loop3A_134 = vector.broadcast %parallel_loop3A_133 : f32 to vector<16xf32>
        %parallel_loop3A_135 = arith.mulf %parallel_loop3A_134, %parallel_loop3A_132 : vector<16xf32>
        %parallel_loop3A_136 = arith.constant 5.000000e-01 : f32
        %parallel_loop3A_137 = vector.broadcast %parallel_loop3A_136 : f32 to vector<16xf32>
        %parallel_loop3A_138 = arith.addf %parallel_loop3A_135, %parallel_loop3A_137 : vector<16xf32>
        %parallel_loop3A_139 = arith.constant 5.000000e+00 : f32
        %parallel_loop3A_140 = vector.broadcast %parallel_loop3A_139 : f32 to vector<16xf32>
        %parallel_loop3A_141 = arith.cmpf olt, %parallel_loop3A_94, %parallel_loop3A_140 : vector<16xf32>
        %parallel_loop3A_142 = arith.constant 0.000000e+00 : f32
        %parallel_loop3A_143 = vector.broadcast %parallel_loop3A_142 : f32 to vector<16xf32>
        %parallel_loop3A_144 = arith.select %parallel_loop3A_141, %parallel_loop3A_138, %parallel_loop3A_143 : vector<16xi1>, vector<16xf32>
        %parallel_loop3A_145 = arith.constant 0.000000e+00 : f32
        %parallel_loop3A_146 = vector.broadcast %parallel_loop3A_145 : f32 to vector<16xf32>
        %parallel_loop3A_147 = arith.subf %parallel_loop3A_94, %parallel_loop3A_146 : vector<16xf32>
        %parallel_loop3A_148 = arith.mulf %parallel_loop3A_147, %parallel_loop3A_147 : vector<16xf32>
        %parallel_loop3A_149 = arith.constant -2.000000e+00 : f32
        %parallel_loop3A_150 = vector.broadcast %parallel_loop3A_149 : f32 to vector<16xf32>
        %parallel_loop3A_151 = arith.mulf %parallel_loop3A_148, %parallel_loop3A_150 : vector<16xf32>
        %parallel_loop3A_152 = math.exp %parallel_loop3A_151 : vector<16xf32>
        %parallel_loop3A_153 = arith.mulf %parallel_loop3A_152, %parallel_loop3A_144 : vector<16xf32>
        %parallel_loop3A_154 = arith.constant 0 : i32
        %parallel_loop3A_155 = vector.broadcast %parallel_loop3A_154 : i32 to vector<16xi32>
        tpu.vector_store_idx %arg10[%parallel_loop3A_38, %parallel_loop3A_155], %parallel_loop3A_153 : memref<800x16xf32, #tpu.memory_space<vmem>>[vector<16xi32>, vector<16xi32>], vector<16xf32>,
        %parallel_loop3A_156 = arith.constant 0.333333343 : f32
        %parallel_loop3A_157 = vector.broadcast %parallel_loop3A_156 : f32 to vector<16xf32>
        %parallel_loop3A_158 = arith.subf %parallel_loop3A_94, %parallel_loop3A_157 : vector<16xf32>
        %parallel_loop3A_159 = arith.mulf %parallel_loop3A_158, %parallel_loop3A_158 : vector<16xf32>
        %parallel_loop3A_160 = arith.constant -2.000000e+00 : f32
        %parallel_loop3A_161 = vector.broadcast %parallel_loop3A_160 : f32 to vector<16xf32>
        %parallel_loop3A_162 = arith.mulf %parallel_loop3A_159, %parallel_loop3A_161 : vector<16xf32>
        %parallel_loop3A_163 = math.exp %parallel_loop3A_162 : vector<16xf32>
        %parallel_loop3A_164 = arith.mulf %parallel_loop3A_163, %parallel_loop3A_144 : vector<16xf32>
        %parallel_loop3A_165 = arith.constant 1 : i32
        %parallel_loop3A_166 = vector.broadcast %parallel_loop3A_165 : i32 to vector<16xi32>
        tpu.vector_store_idx %arg10[%parallel_loop3A_38, %parallel_loop3A_166], %parallel_loop3A_164 : memref<800x16xf32, #tpu.memory_space<vmem>>[vector<16xi32>, vector<16xi32>], vector<16xf32>,
        %parallel_loop3A_167 = arith.constant 0.666666686 : f32
        %parallel_loop3A_168 = vector.broadcast %parallel_loop3A_167 : f32 to vector<16xf32>
        %parallel_loop3A_169 = arith.subf %parallel_loop3A_94, %parallel_loop3A_168 : vector<16xf32>
        %parallel_loop3A_170 = arith.mulf %parallel_loop3A_169, %parallel_loop3A_169 : vector<16xf32>
        %parallel_loop3A_171 = arith.constant -2.000000e+00 : f32
        %parallel_loop3A_172 = vector.broadcast %parallel_loop3A_171 : f32 to vector<16xf32>
        %parallel_loop3A_173 = arith.mulf %parallel_loop3A_170, %parallel_loop3A_172 : vector<16xf32>
        %parallel_loop3A_174 = math.exp %parallel_loop3A_173 : vector<16xf32>
        %parallel_loop3A_175 = arith.mulf %parallel_loop3A_174, %parallel_loop3A_144 : vector<16xf32>
        %parallel_loop3A_176 = arith.constant 2 : i32
        %parallel_loop3A_177 = vector.broadcast %parallel_loop3A_176 : i32 to vector<16xi32>
        tpu.vector_store_idx %arg10[%parallel_loop3A_38, %parallel_loop3A_177], %parallel_loop3A_175 : memref<800x16xf32, #tpu.memory_space<vmem>>[vector<16xi32>, vector<16xi32>], vector<16xf32>,
        %parallel_loop3A_178 = arith.constant 1.000000e+00 : f32
        %parallel_loop3A_179 = vector.broadcast %parallel_loop3A_178 : f32 to vector<16xf32>
        %parallel_loop3A_180 = arith.subf %parallel_loop3A_94, %parallel_loop3A_179 : vector<16xf32>
        %parallel_loop3A_181 = arith.mulf %parallel_loop3A_180, %parallel_loop3A_180 : vector<16xf32>
        %parallel_loop3A_182 = arith.constant -2.000000e+00 : f32
        %parallel_loop3A_183 = vector.broadcast %parallel_loop3A_182 : f32 to vector<16xf32>
        %parallel_loop3A_184 = arith.mulf %parallel_loop3A_181, %parallel_loop3A_183 : vector<16xf32>
        %parallel_loop3A_185 = math.exp %parallel_loop3A_184 : vector<16xf32>
        %parallel_loop3A_186 = arith.mulf %parallel_loop3A_185, %parallel_loop3A_144 : vector<16xf32>
        %parallel_loop3A_187 = arith.constant 3 : i32
        %parallel_loop3A_188 = vector.broadcast %parallel_loop3A_187 : i32 to vector<16xi32>
        tpu.vector_store_idx %arg10[%parallel_loop3A_38, %parallel_loop3A_188], %parallel_loop3A_186 : memref<800x16xf32, #tpu.memory_space<vmem>>[vector<16xi32>, vector<16xi32>], vector<16xf32>,
        %parallel_loop3A_189 = arith.constant 1.33333337 : f32
        %parallel_loop3A_190 = vector.broadcast %parallel_loop3A_189 : f32 to vector<16xf32>
        %parallel_loop3A_191 = arith.subf %parallel_loop3A_94, %parallel_loop3A_190 : vector<16xf32>
        %parallel_loop3A_192 = arith.mulf %parallel_loop3A_191, %parallel_loop3A_191 : vector<16xf32>
        %parallel_loop3A_193 = arith.constant -2.000000e+00 : f32
        %parallel_loop3A_194 = vector.broadcast %parallel_loop3A_193 : f32 to vector<16xf32>
        %parallel_loop3A_195 = arith.mulf %parallel_loop3A_192, %parallel_loop3A_194 : vector<16xf32>
        %parallel_loop3A_196 = math.exp %parallel_loop3A_195 : vector<16xf32>
        %parallel_loop3A_197 = arith.mulf %parallel_loop3A_196, %parallel_loop3A_144 : vector<16xf32>
        %parallel_loop3A_198 = arith.constant 4 : i32
        %parallel_loop3A_199 = vector.broadcast %parallel_loop3A_198 : i32 to vector<16xi32>
        tpu.vector_store_idx %arg10[%parallel_loop3A_38, %parallel_loop3A_199], %parallel_loop3A_197 : memref<800x16xf32, #tpu.memory_space<vmem>>[vector<16xi32>, vector<16xi32>], vector<16xf32>,
        %parallel_loop3A_200 = arith.constant 1.66666663 : f32
        %parallel_loop3A_201 = vector.broadcast %parallel_loop3A_200 : f32 to vector<16xf32>
        %parallel_loop3A_202 = arith.subf %parallel_loop3A_94, %parallel_loop3A_201 : vector<16xf32>
        %parallel_loop3A_203 = arith.mulf %parallel_loop3A_202, %parallel_loop3A_202 : vector<16xf32>
        %parallel_loop3A_204 = arith.constant -2.000000e+00 : f32
        %parallel_loop3A_205 = vector.broadcast %parallel_loop3A_204 : f32 to vector<16xf32>
        %parallel_loop3A_206 = arith.mulf %parallel_loop3A_203, %parallel_loop3A_205 : vector<16xf32>
        %parallel_loop3A_207 = math.exp %parallel_loop3A_206 : vector<16xf32>
        %parallel_loop3A_208 = arith.mulf %parallel_loop3A_207, %parallel_loop3A_144 : vector<16xf32>
        %parallel_loop3A_209 = arith.constant 5 : i32
        %parallel_loop3A_210 = vector.broadcast %parallel_loop3A_209 : i32 to vector<16xi32>
        tpu.vector_store_idx %arg10[%parallel_loop3A_38, %parallel_loop3A_210], %parallel_loop3A_208 : memref<800x16xf32, #tpu.memory_space<vmem>>[vector<16xi32>, vector<16xi32>], vector<16xf32>,
        %parallel_loop3A_211 = arith.constant 2.000000e+00 : f32
        %parallel_loop3A_212 = vector.broadcast %parallel_loop3A_211 : f32 to vector<16xf32>
        %parallel_loop3A_213 = arith.subf %parallel_loop3A_94, %parallel_loop3A_212 : vector<16xf32>
        %parallel_loop3A_214 = arith.mulf %parallel_loop3A_213, %parallel_loop3A_213 : vector<16xf32>
        %parallel_loop3A_215 = arith.constant -2.000000e+00 : f32
        %parallel_loop3A_216 = vector.broadcast %parallel_loop3A_215 : f32 to vector<16xf32>
        %parallel_loop3A_217 = arith.mulf %parallel_loop3A_214, %parallel_loop3A_216 : vector<16xf32>
        %parallel_loop3A_218 = math.exp %parallel_loop3A_217 : vector<16xf32>
        %parallel_loop3A_219 = arith.mulf %parallel_loop3A_218, %parallel_loop3A_144 : vector<16xf32>
        %parallel_loop3A_220 = arith.constant 6 : i32
        %parallel_loop3A_221 = vector.broadcast %parallel_loop3A_220 : i32 to vector<16xi32>
        tpu.vector_store_idx %arg10[%parallel_loop3A_38, %parallel_loop3A_221], %parallel_loop3A_219 : memref<800x16xf32, #tpu.memory_space<vmem>>[vector<16xi32>, vector<16xi32>], vector<16xf32>,
        %parallel_loop3A_222 = arith.constant 2.33333325 : f32
        %parallel_loop3A_223 = vector.broadcast %parallel_loop3A_222 : f32 to vector<16xf32>
        %parallel_loop3A_224 = arith.subf %parallel_loop3A_94, %parallel_loop3A_223 : vector<16xf32>
        %parallel_loop3A_225 = arith.mulf %parallel_loop3A_224, %parallel_loop3A_224 : vector<16xf32>
        %parallel_loop3A_226 = arith.constant -2.000000e+00 : f32
        %parallel_loop3A_227 = vector.broadcast %parallel_loop3A_226 : f32 to vector<16xf32>
        %parallel_loop3A_228 = arith.mulf %parallel_loop3A_225, %parallel_loop3A_227 : vector<16xf32>
        %parallel_loop3A_229 = math.exp %parallel_loop3A_228 : vector<16xf32>
        %parallel_loop3A_230 = arith.mulf %parallel_loop3A_229, %parallel_loop3A_144 : vector<16xf32>
        %parallel_loop3A_231 = arith.constant 7 : i32
        %parallel_loop3A_232 = vector.broadcast %parallel_loop3A_231 : i32 to vector<16xi32>
        tpu.vector_store_idx %arg10[%parallel_loop3A_38, %parallel_loop3A_232], %parallel_loop3A_230 : memref<800x16xf32, #tpu.memory_space<vmem>>[vector<16xi32>, vector<16xi32>], vector<16xf32>,
        %parallel_loop3A_233 = arith.constant 2.66666675 : f32
        %parallel_loop3A_234 = vector.broadcast %parallel_loop3A_233 : f32 to vector<16xf32>
        %parallel_loop3A_235 = arith.subf %parallel_loop3A_94, %parallel_loop3A_234 : vector<16xf32>
        %parallel_loop3A_236 = arith.mulf %parallel_loop3A_235, %parallel_loop3A_235 : vector<16xf32>
        %parallel_loop3A_237 = arith.constant -2.000000e+00 : f32
        %parallel_loop3A_238 = vector.broadcast %parallel_loop3A_237 : f32 to vector<16xf32>
        %parallel_loop3A_239 = arith.mulf %parallel_loop3A_236, %parallel_loop3A_238 : vector<16xf32>
        %parallel_loop3A_240 = math.exp %parallel_loop3A_239 : vector<16xf32>
        %parallel_loop3A_241 = arith.mulf %parallel_loop3A_240, %parallel_loop3A_144 : vector<16xf32>
        %parallel_loop3A_242 = arith.constant 8 : i32
        %parallel_loop3A_243 = vector.broadcast %parallel_loop3A_242 : i32 to vector<16xi32>
        tpu.vector_store_idx %arg10[%parallel_loop3A_38, %parallel_loop3A_243], %parallel_loop3A_241 : memref<800x16xf32, #tpu.memory_space<vmem>>[vector<16xi32>, vector<16xi32>], vector<16xf32>,
        %parallel_loop3A_244 = arith.constant 3.000000e+00 : f32
        %parallel_loop3A_245 = vector.broadcast %parallel_loop3A_244 : f32 to vector<16xf32>
        %parallel_loop3A_246 = arith.subf %parallel_loop3A_94, %parallel_loop3A_245 : vector<16xf32>
        %parallel_loop3A_247 = arith.mulf %parallel_loop3A_246, %parallel_loop3A_246 : vector<16xf32>
        %parallel_loop3A_248 = arith.constant -2.000000e+00 : f32
        %parallel_loop3A_249 = vector.broadcast %parallel_loop3A_248 : f32 to vector<16xf32>
        %parallel_loop3A_250 = arith.mulf %parallel_loop3A_247, %parallel_loop3A_249 : vector<16xf32>
        %parallel_loop3A_251 = math.exp %parallel_loop3A_250 : vector<16xf32>
        %parallel_loop3A_252 = arith.mulf %parallel_loop3A_251, %parallel_loop3A_144 : vector<16xf32>
        %parallel_loop3A_253 = arith.constant 9 : i32
        %parallel_loop3A_254 = vector.broadcast %parallel_loop3A_253 : i32 to vector<16xi32>
        tpu.vector_store_idx %arg10[%parallel_loop3A_38, %parallel_loop3A_254], %parallel_loop3A_252 : memref<800x16xf32, #tpu.memory_space<vmem>>[vector<16xi32>, vector<16xi32>], vector<16xf32>,
        %parallel_loop3A_255 = arith.constant 3.33333325 : f32
        %parallel_loop3A_256 = vector.broadcast %parallel_loop3A_255 : f32 to vector<16xf32>
        %parallel_loop3A_257 = arith.subf %parallel_loop3A_94, %parallel_loop3A_256 : vector<16xf32>
        %parallel_loop3A_258 = arith.mulf %parallel_loop3A_257, %parallel_loop3A_257 : vector<16xf32>
        %parallel_loop3A_259 = arith.constant -2.000000e+00 : f32
        %parallel_loop3A_260 = vector.broadcast %parallel_loop3A_259 : f32 to vector<16xf32>
        %parallel_loop3A_261 = arith.mulf %parallel_loop3A_258, %parallel_loop3A_260 : vector<16xf32>
        %parallel_loop3A_262 = math.exp %parallel_loop3A_261 : vector<16xf32>
        %parallel_loop3A_263 = arith.mulf %parallel_loop3A_262, %parallel_loop3A_144 : vector<16xf32>
        %parallel_loop3A_264 = arith.constant 10 : i32
        %parallel_loop3A_265 = vector.broadcast %parallel_loop3A_264 : i32 to vector<16xi32>
        tpu.vector_store_idx %arg10[%parallel_loop3A_38, %parallel_loop3A_265], %parallel_loop3A_263 : memref<800x16xf32, #tpu.memory_space<vmem>>[vector<16xi32>, vector<16xi32>], vector<16xf32>,
        %parallel_loop3A_266 = arith.constant 3.66666675 : f32
        %parallel_loop3A_267 = vector.broadcast %parallel_loop3A_266 : f32 to vector<16xf32>
        %parallel_loop3A_268 = arith.subf %parallel_loop3A_94, %parallel_loop3A_267 : vector<16xf32>
        %parallel_loop3A_269 = arith.mulf %parallel_loop3A_268, %parallel_loop3A_268 : vector<16xf32>
        %parallel_loop3A_270 = arith.constant -2.000000e+00 : f32
        %parallel_loop3A_271 = vector.broadcast %parallel_loop3A_270 : f32 to vector<16xf32>
        %parallel_loop3A_272 = arith.mulf %parallel_loop3A_269, %parallel_loop3A_271 : vector<16xf32>
        %parallel_loop3A_273 = math.exp %parallel_loop3A_272 : vector<16xf32>
        %parallel_loop3A_274 = arith.mulf %parallel_loop3A_273, %parallel_loop3A_144 : vector<16xf32>
        %parallel_loop3A_275 = arith.constant 11 : i32
        %parallel_loop3A_276 = vector.broadcast %parallel_loop3A_275 : i32 to vector<16xi32>
        tpu.vector_store_idx %arg10[%parallel_loop3A_38, %parallel_loop3A_276], %parallel_loop3A_274 : memref<800x16xf32, #tpu.memory_space<vmem>>[vector<16xi32>, vector<16xi32>], vector<16xf32>,
        %parallel_loop3A_277 = arith.constant 4.000000e+00 : f32
        %parallel_loop3A_278 = vector.broadcast %parallel_loop3A_277 : f32 to vector<16xf32>
        %parallel_loop3A_279 = arith.subf %parallel_loop3A_94, %parallel_loop3A_278 : vector<16xf32>
        %parallel_loop3A_280 = arith.mulf %parallel_loop3A_279, %parallel_loop3A_279 : vector<16xf32>
        %parallel_loop3A_281 = arith.constant -2.000000e+00 : f32
        %parallel_loop3A_282 = vector.broadcast %parallel_loop3A_281 : f32 to vector<16xf32>
        %parallel_loop3A_283 = arith.mulf %parallel_loop3A_280, %parallel_loop3A_282 : vector<16xf32>
        %parallel_loop3A_284 = math.exp %parallel_loop3A_283 : vector<16xf32>
        %parallel_loop3A_285 = arith.mulf %parallel_loop3A_284, %parallel_loop3A_144 : vector<16xf32>
        %parallel_loop3A_286 = arith.constant 12 : i32
        %parallel_loop3A_287 = vector.broadcast %parallel_loop3A_286 : i32 to vector<16xi32>
        tpu.vector_store_idx %arg10[%parallel_loop3A_38, %parallel_loop3A_287], %parallel_loop3A_285 : memref<800x16xf32, #tpu.memory_space<vmem>>[vector<16xi32>, vector<16xi32>], vector<16xf32>,
        %parallel_loop3A_288 = arith.constant 4.33333349 : f32
        %parallel_loop3A_289 = vector.broadcast %parallel_loop3A_288 : f32 to vector<16xf32>
        %parallel_loop3A_290 = arith.subf %parallel_loop3A_94, %parallel_loop3A_289 : vector<16xf32>
        %parallel_loop3A_291 = arith.mulf %parallel_loop3A_290, %parallel_loop3A_290 : vector<16xf32>
        %parallel_loop3A_292 = arith.constant -2.000000e+00 : f32
        %parallel_loop3A_293 = vector.broadcast %parallel_loop3A_292 : f32 to vector<16xf32>
        %parallel_loop3A_294 = arith.mulf %parallel_loop3A_291, %parallel_loop3A_293 : vector<16xf32>
        %parallel_loop3A_295 = math.exp %parallel_loop3A_294 : vector<16xf32>
        %parallel_loop3A_296 = arith.mulf %parallel_loop3A_295, %parallel_loop3A_144 : vector<16xf32>
        %parallel_loop3A_297 = arith.constant 13 : i32
        %parallel_loop3A_298 = vector.broadcast %parallel_loop3A_297 : i32 to vector<16xi32>
        tpu.vector_store_idx %arg10[%parallel_loop3A_38, %parallel_loop3A_298], %parallel_loop3A_296 : memref<800x16xf32, #tpu.memory_space<vmem>>[vector<16xi32>, vector<16xi32>], vector<16xf32>,
        %parallel_loop3A_299 = arith.constant 4.66666651 : f32
        %parallel_loop3A_300 = vector.broadcast %parallel_loop3A_299 : f32 to vector<16xf32>
        %parallel_loop3A_301 = arith.subf %parallel_loop3A_94, %parallel_loop3A_300 : vector<16xf32>
        %parallel_loop3A_302 = arith.mulf %parallel_loop3A_301, %parallel_loop3A_301 : vector<16xf32>
        %parallel_loop3A_303 = arith.constant -2.000000e+00 : f32
        %parallel_loop3A_304 = vector.broadcast %parallel_loop3A_303 : f32 to vector<16xf32>
        %parallel_loop3A_305 = arith.mulf %parallel_loop3A_302, %parallel_loop3A_304 : vector<16xf32>
        %parallel_loop3A_306 = math.exp %parallel_loop3A_305 : vector<16xf32>
        %parallel_loop3A_307 = arith.mulf %parallel_loop3A_306, %parallel_loop3A_144 : vector<16xf32>
        %parallel_loop3A_308 = arith.constant 14 : i32
        %parallel_loop3A_309 = vector.broadcast %parallel_loop3A_308 : i32 to vector<16xi32>
        tpu.vector_store_idx %arg10[%parallel_loop3A_38, %parallel_loop3A_309], %parallel_loop3A_307 : memref<800x16xf32, #tpu.memory_space<vmem>>[vector<16xi32>, vector<16xi32>], vector<16xf32>,
        %parallel_loop3A_310 = arith.constant 5.000000e+00 : f32
        %parallel_loop3A_311 = vector.broadcast %parallel_loop3A_310 : f32 to vector<16xf32>
        %parallel_loop3A_312 = arith.subf %parallel_loop3A_94, %parallel_loop3A_311 : vector<16xf32>
        %parallel_loop3A_313 = arith.mulf %parallel_loop3A_312, %parallel_loop3A_312 : vector<16xf32>
        %parallel_loop3A_314 = arith.constant -2.000000e+00 : f32
        %parallel_loop3A_315 = vector.broadcast %parallel_loop3A_314 : f32 to vector<16xf32>
        %parallel_loop3A_316 = arith.mulf %parallel_loop3A_313, %parallel_loop3A_315 : vector<16xf32>
        %parallel_loop3A_317 = math.exp %parallel_loop3A_316 : vector<16xf32>
        %parallel_loop3A_318 = arith.mulf %parallel_loop3A_317, %parallel_loop3A_144 : vector<16xf32>
        %parallel_loop3A_319 = arith.constant 15 : i32
        %parallel_loop3A_320 = vector.broadcast %parallel_loop3A_319 : i32 to vector<16xi32>
        tpu.vector_store_idx %arg10[%parallel_loop3A_38, %parallel_loop3A_320], %parallel_loop3A_318 : memref<800x16xf32, #tpu.memory_space<vmem>>[vector<16xi32>, vector<16xi32>], vector<16xf32>,
      } {sc.loop_unroll_factor = 5 : i64, sc.parallel_access}
      "tpu.region"() ({
        %run_scoped3A = tpu.sem_alloc : memref<!tpu.dma_semaphore, #tpu.memory_space<semaphore_mem>>
        %dma_start3A_34 = arith.constant 0 : i32
        %dma_start3A_35 = arith.constant 0 : i32
        %dma_start3A_36 = tpu.memref_slice %arg7[%dma_start3A_34, %dma_start3A_35] : memref<100096x16xf32, #tpu.memory_space<vmem_shared>> -> memref<100096x16xf32, #tpu.memory_space<vmem_shared>>
        tpu.enqueue_indirect_dma source(%arg10 : memref<800x16xf32, #tpu.memory_space<vmem>>) target(%dma_start3A_36 : memref<100096x16xf32, #tpu.memory_space<vmem_shared>>) offsets(%arg8 : memref<800xi32, #tpu.memory_space<vmem>>) semaphore(%run_scoped3A : memref<!tpu.dma_semaphore, #tpu.memory_space<semaphore_mem>>) {add = true}
        %dma_wait3A_37 = arith.constant 0 : i32
        %dma_wait3A_38 = arith.constant 0 : i32
        %dma_wait3A_39 = tpu.memref_slice %arg7[%dma_wait3A_37, %dma_wait3A_38] : memref<100096x16xf32, #tpu.memory_space<vmem_shared>> -> memref<100096x16xf32, #tpu.memory_space<vmem_shared>>
        tpu.wait_indirect_dma semaphore(%run_scoped3A : memref<!tpu.dma_semaphore, #tpu.memory_space<semaphore_mem>>) src(%arg10 : memref<800x16xf32, #tpu.memory_space<vmem>>) dst(%dma_wait3A_39 : memref<100096x16xf32, #tpu.memory_space<vmem_shared>>)
        tpu.yield
      }) : () -> ()
      %add3A_30 = arith.constant 1 : i32
      %add3A_31 = arith.addi %scan3A_22, %add3A_30 : i32
      %lt3A = arith.constant 125 : i32
      %lt3A_32 = arith.cmpi slt, %add3A_31, %lt3A : i32
      %convert_element_type3A = arith.extui %lt3A_32 : i1 to i32
      %cond3A = arith.constant 0 : i32
      %cond3A_33 = arith.cmpi ne, %convert_element_type3A, %cond3A : i32
      scf.if %cond3A_33 {
        %add3A_34 = arith.constant 1 : i32
        %add3A_35 = arith.addi %scan3A_22, %add3A_34 : i32
        %mul3A_36 = arith.constant 800 : i32
        %mul3A_37 = arith.muli %add3A_35, %mul3A_36 : i32
        %add3A_38 = arith.addi %mul3A_2, %mul3A_37 : i32
        "tpu.region"() ({
          %run_scoped3A = tpu.sem_alloc : memref<!tpu.dma_semaphore, #tpu.memory_space<semaphore_mem>>
          %dma_start3A_45 = tpu.memref_slice %arg3[%add3A_38] : memref<3200000xi32, #tpu.memory_space<hbm>> -> memref<800xi32, #tpu.memory_space<hbm>>
          %dma_start3A_46 = tpu.memref_slice %arg3[%add3A_38] : memref<3200000xi32, #tpu.memory_space<hbm>> -> memref<800xi32, #tpu.memory_space<hbm>>
          tpu.enqueue_dma source(%dma_start3A_46 : memref<800xi32, #tpu.memory_space<hbm>>) target(%arg8 : memref<800xi32, #tpu.memory_space<vmem>>) target_semaphore(%run_scoped3A : memref<!tpu.dma_semaphore, #tpu.memory_space<semaphore_mem>>)
          %dma_wait3A_47 = tpu.memref_slice %arg3[%add3A_38] : memref<3200000xi32, #tpu.memory_space<hbm>> -> memref<800xi32, #tpu.memory_space<hbm>>
          %dma_wait3A_48 = tpu.memref_slice %arg3[%add3A_38] : memref<3200000xi32, #tpu.memory_space<hbm>> -> memref<800xi32, #tpu.memory_space<hbm>>
          tpu.wait_dma2 semaphore(%run_scoped3A : memref<!tpu.dma_semaphore, #tpu.memory_space<semaphore_mem>>) src(%dma_wait3A_48 : memref<800xi32, #tpu.memory_space<hbm>>) dst(%arg8 : memref<800xi32, #tpu.memory_space<vmem>>)
          tpu.yield
        }) : () -> ()
        "tpu.region"() ({
          %run_scoped3A = tpu.sem_alloc : memref<!tpu.dma_semaphore, #tpu.memory_space<semaphore_mem>>
          %dma_start3A_45 = tpu.memref_slice %arg4[%add3A_38] : memref<3200000xi32, #tpu.memory_space<hbm>> -> memref<800xi32, #tpu.memory_space<hbm>>
          %dma_start3A_46 = tpu.memref_slice %arg4[%add3A_38] : memref<3200000xi32, #tpu.memory_space<hbm>> -> memref<800xi32, #tpu.memory_space<hbm>>
          tpu.enqueue_dma source(%dma_start3A_46 : memref<800xi32, #tpu.memory_space<hbm>>) target(%arg9 : memref<800xi32, #tpu.memory_space<vmem>>) target_semaphore(%run_scoped3A : memref<!tpu.dma_semaphore, #tpu.memory_space<semaphore_mem>>)
          %dma_wait3A_47 = tpu.memref_slice %arg4[%add3A_38] : memref<3200000xi32, #tpu.memory_space<hbm>> -> memref<800xi32, #tpu.memory_space<hbm>>
          %dma_wait3A_48 = tpu.memref_slice %arg4[%add3A_38] : memref<3200000xi32, #tpu.memory_space<hbm>> -> memref<800xi32, #tpu.memory_space<hbm>>
          tpu.wait_dma2 semaphore(%run_scoped3A : memref<!tpu.dma_semaphore, #tpu.memory_space<semaphore_mem>>) src(%dma_wait3A_48 : memref<800xi32, #tpu.memory_space<hbm>>) dst(%arg9 : memref<800xi32, #tpu.memory_space<vmem>>)
          tpu.yield
        }) : () -> ()
        %dma_start3A_39 = arith.constant 0 : i32
        %dma_start3A_40 = arith.constant 0 : i32
        %dma_start3A_41 = tpu.memref_slice %arg2[%dma_start3A_39, %dma_start3A_40] : memref<100000x16xf32, #tpu.memory_space<hbm>> -> memref<100000x16xf32, #tpu.memory_space<hbm>>
        tpu.enqueue_indirect_dma source(%dma_start3A_41 : memref<100000x16xf32, #tpu.memory_space<hbm>>) target(%arg10 : memref<800x16xf32, #tpu.memory_space<vmem>>) offsets(%arg8 : memref<800xi32, #tpu.memory_space<vmem>>) semaphore(%arg12 : memref<!tpu.dma_semaphore, #tpu.memory_space<semaphore_mem>>)
        %dma_start3A_42 = arith.constant 0 : i32
        %dma_start3A_43 = arith.constant 0 : i32
        %dma_start3A_44 = tpu.memref_slice %arg2[%dma_start3A_42, %dma_start3A_43] : memref<100000x16xf32, #tpu.memory_space<hbm>> -> memref<100000x16xf32, #tpu.memory_space<hbm>>
        tpu.enqueue_indirect_dma source(%dma_start3A_44 : memref<100000x16xf32, #tpu.memory_space<hbm>>) target(%arg11 : memref<800x16xf32, #tpu.memory_space<vmem>>) offsets(%arg9 : memref<800xi32, #tpu.memory_space<vmem>>) semaphore(%arg13 : memref<!tpu.dma_semaphore, #tpu.memory_space<semaphore_mem>>)
      } else {
      }
    }
    %scan3A_16 = arith.constant 125 : i32
    %barrier3A_17 = arith.constant 0 : index
    tpu.barrier barrier_id(%barrier3A_17)
    %mul3A_18 = arith.constant 6256 : i32
    %mul3A_19 = arith.muli %arg1, %mul3A_18 : i32
    %mul3A_20 = arith.constant 6256 : i32
    %mul3A_21 = arith.muli %arg1, %mul3A_20 : i32
    "tpu.region"() ({
      %run_scoped3A = tpu.sem_alloc : memref<!tpu.dma_semaphore, #tpu.memory_space<semaphore_mem>>
      %dma_start3A_22 = arith.constant 0 : i32
      %dma_start3A_23 = tpu.memref_slice %arg6[%arg0, %mul3A_21, %dma_start3A_22] : memref<2x100096x16xf32, #tpu.memory_space<hbm>> -> memref<1x6256x16xf32, #tpu.memory_space<hbm>>
      %dma_start3A_24 = tpu.memref_squeeze %dma_start3A_23 : memref<1x6256x16xf32, #tpu.memory_space<hbm>> -> memref<6256x16xf32, #tpu.memory_space<hbm>>
      %dma_start3A_25 = arith.constant 0 : i32
      %dma_start3A_26 = tpu.memref_slice %arg7[%mul3A_19, %dma_start3A_25] : memref<100096x16xf32, #tpu.memory_space<vmem_shared>> -> memref<6256x16xf32, #tpu.memory_space<vmem_shared>>
      tpu.enqueue_dma source(%dma_start3A_26 : memref<6256x16xf32, #tpu.memory_space<vmem_shared>>) target(%dma_start3A_24 : memref<6256x16xf32, #tpu.memory_space<hbm>>) target_semaphore(%run_scoped3A : memref<!tpu.dma_semaphore, #tpu.memory_space<semaphore_mem>>)
      %dma_wait3A = arith.constant 0 : i32
      %dma_wait3A_27 = tpu.memref_slice %arg6[%arg0, %mul3A_21, %dma_wait3A] : memref<2x100096x16xf32, #tpu.memory_space<hbm>> -> memref<1x6256x16xf32, #tpu.memory_space<hbm>>
      %dma_wait3A_28 = tpu.memref_squeeze %dma_wait3A_27 : memref<1x6256x16xf32, #tpu.memory_space<hbm>> -> memref<6256x16xf32, #tpu.memory_space<hbm>>
      %dma_wait3A_29 = arith.constant 0 : i32
      %dma_wait3A_30 = tpu.memref_slice %arg7[%mul3A_19, %dma_wait3A_29] : memref<100096x16xf32, #tpu.memory_space<vmem_shared>> -> memref<6256x16xf32, #tpu.memory_space<vmem_shared>>
      tpu.wait_dma2 semaphore(%run_scoped3A : memref<!tpu.dma_semaphore, #tpu.memory_space<semaphore_mem>>) src(%dma_wait3A_30 : memref<6256x16xf32, #tpu.memory_space<vmem_shared>>) dst(%dma_wait3A_28 : memref<6256x16xf32, #tpu.memory_space<hbm>>)
      tpu.yield
    }) : () -> ()
    return
  }
}

module attributes {stable_mosaic.version = 14 : i64} {
  func.func @_tc_body(%arg0: i32, %arg1: memref<1x6256x16xf32, #tpu.memory_space<vmem>>, %arg2: memref<1x6256x16xf32, #tpu.memory_space<vmem>>, %arg3: memref<1x1x6256xi32, #tpu.memory_space<vmem>>, %arg4: memref<16x64xf32, #tpu.memory_space<vmem>>, %arg5: memref<1x64xf32, #tpu.memory_space<vmem>>, %arg6: memref<64x1xf32, #tpu.memory_space<vmem>>, %arg7: memref<1x1xf32, #tpu.memory_space<vmem>>, %arg8: memref<128x1xf32, #tpu.memory_space<vmem>>, %arg9: memref<128x1xf32, #tpu.memory_space<vmem>>, %arg10: memref<1x1xf32, #tpu.memory_space<smem>>) attributes {dimension_semantics = [#tpu.dimension_semantics<arbitrary>], iteration_bounds = array<i64: 16>, scalar_prefetch = 0 : i64, scratch_operands = 0 : i64, tpu.core_type = #tpu.core_type<tc>, window_params = [{transform_indices = @transform_0, window_bounds = array<i64: 1, 6256, 16>}, {transform_indices = @transform_1, window_bounds = array<i64: 1, 6256, 16>}, {transform_indices = @transform_2, window_bounds = array<i64: 1, 1, 6256>}, {pipeline_mode = #tpu.pipeline_mode<synchronous>, transform_indices = @transform_3, window_bounds = array<i64: 16, 64>}, {pipeline_mode = #tpu.pipeline_mode<synchronous>, transform_indices = @transform_4, window_bounds = array<i64: 1, 64>}, {pipeline_mode = #tpu.pipeline_mode<synchronous>, transform_indices = @transform_5, window_bounds = array<i64: 64, 1>}, {pipeline_mode = #tpu.pipeline_mode<synchronous>, transform_indices = @transform_6, window_bounds = array<i64: 1, 1>}, {pipeline_mode = #tpu.pipeline_mode<synchronous>, transform_indices = @transform_7, window_bounds = array<i64: 128, 1>}, {pipeline_mode = #tpu.pipeline_mode<synchronous>, transform_indices = @transform_8, window_bounds = array<i64: 128, 1>}, {transform_indices = @transform_9, window_bounds = array<i64: 1, 1>}]} {
    %get3A = arith.constant 0 : index
    %get3A_0 = arith.constant 0 : index
    %get3A_1 = arith.constant 0 : index
    %get3A_2 = vector.load %arg1[%get3A, %get3A_0, %get3A_1] : memref<1x6256x16xf32, #tpu.memory_space<vmem>>, vector<1x6256x16xf32>
    %get3A_3 = vector.shape_cast %get3A_2 : vector<1x6256x16xf32> to vector<6256x16xf32>
    %get3A_4 = arith.constant 0 : index
    %get3A_5 = arith.constant 0 : index
    %get3A_6 = arith.constant 0 : index
    %get3A_7 = vector.load %arg2[%get3A_4, %get3A_5, %get3A_6] : memref<1x6256x16xf32, #tpu.memory_space<vmem>>, vector<1x6256x16xf32>
    %get3A_8 = vector.shape_cast %get3A_7 : vector<1x6256x16xf32> to vector<6256x16xf32>
    %add3A = arith.addf %get3A_3, %get3A_8 : vector<6256x16xf32>
    %get3A_9 = arith.constant 0 : index
    %get3A_10 = arith.constant 0 : index
    %get3A_11 = vector.load %arg4[%get3A_9, %get3A_10] : memref<16x64xf32, #tpu.memory_space<vmem>>, vector<16x64xf32>
    %dot_general3A = arith.constant dense<0.000000e+00> : vector<6256x64xf32>
    %dot_general3A_12 = tpu.matmul %add3A, %get3A_11, %dot_general3A {dimension_numbers = #tpu.dot_dimension_numbers<[1], [0], [0], [1], [0, 0, 1, 1], [], []>, transpose_lhs_hint = false} : vector<6256x16xf32>, vector<16x64xf32>, vector<6256x64xf32> -> vector<6256x64xf32>
    %get3A_13 = arith.constant 0 : index
    %get3A_14 = arith.constant 0 : index
    %get3A_15 = vector.load %arg5[%get3A_13, %get3A_14] : memref<1x64xf32, #tpu.memory_space<vmem>>, vector<1x64xf32>
    %add3A_16 = vector.broadcast %get3A_15 : vector<1x64xf32> to vector<6256x64xf32>
    %add3A_17 = arith.addf %dot_general3A_12, %add3A_16 : vector<6256x64xf32>
    %logistic3A = arith.negf %add3A_17 : vector<6256x64xf32>
    %logistic3A_18 = math.exp %logistic3A : vector<6256x64xf32>
    %logistic3A_19 = arith.constant 1.000000e+00 : f32
    %logistic3A_20 = vector.broadcast %logistic3A_19 : f32 to vector<6256x64xf32>
    %logistic3A_21 = arith.addf %logistic3A_20, %logistic3A_18 : vector<6256x64xf32>
    %logistic3A_22 = arith.divf %logistic3A_20, %logistic3A_21 : vector<6256x64xf32>
    %mul3A = arith.mulf %add3A_17, %logistic3A_22 : vector<6256x64xf32>
    %get3A_23 = arith.constant 0 : index
    %get3A_24 = arith.constant 0 : index
    %get3A_25 = vector.load %arg6[%get3A_23, %get3A_24] : memref<64x1xf32, #tpu.memory_space<vmem>>, vector<64x1xf32>
    %dot_general3A_26 = arith.constant dense<0.000000e+00> : vector<6256x1xf32>
    %dot_general3A_27 = tpu.matmul %mul3A, %get3A_25, %dot_general3A_26 {dimension_numbers = #tpu.dot_dimension_numbers<[1], [0], [0], [1], [0, 0, 1, 1], [], []>, transpose_lhs_hint = false} : vector<6256x64xf32>, vector<64x1xf32>, vector<6256x1xf32> -> vector<6256x1xf32>
    %get3A_28 = arith.constant 0 : index
    %get3A_29 = arith.constant 0 : index
    %get3A_30 = vector.load %arg7[%get3A_28, %get3A_29] : memref<1x1xf32, #tpu.memory_space<vmem>>, vector<1x1xf32>
    %get3A_31 = vector.extract %get3A_30[0, 0] : f32 from vector<1x1xf32>
    %add3A_32 = vector.broadcast %get3A_31 : f32 to vector<6256x1xf32>
    %add3A_33 = arith.addf %dot_general3A_27, %add3A_32 : vector<6256x1xf32>
    %get3A_34 = arith.constant 0 : index
    %get3A_35 = arith.constant 0 : index
    %get3A_36 = arith.constant 0 : index
    %get3A_37 = vector.load %arg3[%get3A_34, %get3A_35, %get3A_36] : memref<1x1x6256xi32, #tpu.memory_space<vmem>>, vector<1x1x6256xi32>
    %get3A_38 = vector.shape_cast %get3A_37 : vector<1x1x6256xi32> to vector<6256xi32>
    %broadcast_in_dim3A = vector.shape_cast %get3A_38 : vector<6256xi32> to vector<6256x1xi32>
    %iota3A = tpu.iota {dimensions = array<i32: 1>} : vector<6256x128xi32>
    %eq3A = vector.broadcast %broadcast_in_dim3A : vector<6256x1xi32> to vector<6256x128xi32>
    %eq3A_39 = arith.cmpi eq, %eq3A, %iota3A : vector<6256x128xi32>
    %convert_element_type3A = arith.extui %eq3A_39 : vector<6256x128xi1> to vector<6256x128xi32>
    %convert_element_type3A_40 = arith.sitofp %convert_element_type3A : vector<6256x128xi32> to vector<6256x128xf32>
    %get3A_41 = arith.constant 0 : index
    %get3A_42 = arith.constant 0 : index
    %get3A_43 = vector.load %arg8[%get3A_41, %get3A_42] : memref<128x1xf32, #tpu.memory_space<vmem>>, vector<128x1xf32>
    %dot_general3A_44 = arith.constant dense<0.000000e+00> : vector<6256x1xf32>
    %dot_general3A_45 = tpu.matmul %convert_element_type3A_40, %get3A_43, %dot_general3A_44 {dimension_numbers = #tpu.dot_dimension_numbers<[1], [0], [0], [1], [0, 0, 1, 1], [], []>, transpose_lhs_hint = false} : vector<6256x128xf32>, vector<128x1xf32>, vector<6256x1xf32> -> vector<6256x1xf32>
    %get3A_46 = arith.constant 0 : index
    %get3A_47 = arith.constant 0 : index
    %get3A_48 = vector.load %arg9[%get3A_46, %get3A_47] : memref<128x1xf32, #tpu.memory_space<vmem>>, vector<128x1xf32>
    %dot_general3A_49 = arith.constant dense<0.000000e+00> : vector<6256x1xf32>
    %dot_general3A_50 = tpu.matmul %convert_element_type3A_40, %get3A_48, %dot_general3A_49 {dimension_numbers = #tpu.dot_dimension_numbers<[1], [0], [0], [1], [0, 0, 1, 1], [], []>, transpose_lhs_hint = false} : vector<6256x128xf32>, vector<128x1xf32>, vector<6256x1xf32> -> vector<6256x1xf32>
    %mul3A_51 = arith.mulf %add3A_33, %dot_general3A_45 : vector<6256x1xf32>
    %add3A_52 = arith.addf %mul3A_51, %dot_general3A_50 : vector<6256x1xf32>
    %broadcast_in_dim3A_53 = vector.shape_cast %get3A_38 : vector<6256xi32> to vector<6256x1xi32>
    %gt3A = arith.constant 0 : i32
    %gt3A_54 = vector.broadcast %gt3A : i32 to vector<6256x1xi32>
    %gt3A_55 = arith.cmpi sgt, %broadcast_in_dim3A_53, %gt3A_54 : vector<6256x1xi32>
    %jit3A = arith.constant 0.000000e+00 : f32
    %broadcast_in_dim3A_56 = vector.broadcast %jit3A : f32 to vector<6256x1xf32>
    %select_n3A = arith.select %gt3A_55, %add3A_52, %broadcast_in_dim3A_56 : vector<6256x1xi1>, vector<6256x1xf32>
    %reduce_sum3A = vector.shape_cast %select_n3A : vector<6256x1xf32> to vector<1x6256x1xf32>
    %reduce_sum3A_57 = arith.constant dense<0.000000e+00> : vector<1xf32>
    %reduce_sum3A_58 = vector.multi_reduction <add>, %reduce_sum3A, %reduce_sum3A_57 [1, 2] : vector<1x6256x1xf32> to vector<1xf32>
    %reduce_sum3A_59 = vector.shape_cast %reduce_sum3A_58 : vector<1xf32> to vector<1x1x1xf32>
    %reduce_sum3A_60 = vector.extract %reduce_sum3A_59[0, 0, 0] : f32 from vector<1x1x1xf32>
    %eq3A_61 = arith.constant 0 : i32
    %eq3A_62 = arith.cmpi eq, %arg0, %eq3A_61 : i32
    %convert_element_type3A_63 = arith.extui %eq3A_62 : i1 to i32
    %cond3A = arith.constant 0 : i32
    %cond3A_64 = arith.cmpi ne, %convert_element_type3A_63, %cond3A : i32
    scf.if %cond3A_64 {
      %swap3A_71 = arith.constant 0.000000e+00 : f32
      %swap3A_72 = arith.constant 0 : index
      %swap3A_73 = arith.constant 0 : index
      %swap3A_74 = memref.load %arg10[%swap3A_72, %swap3A_73] : memref<1x1xf32, #tpu.memory_space<smem>>
      memref.store %swap3A_71, %arg10[%swap3A_72, %swap3A_73] : memref<1x1xf32, #tpu.memory_space<smem>>
    } else {
    }
    %get3A_65 = arith.constant 0 : index
    %get3A_66 = arith.constant 0 : index
    %get3A_67 = memref.load %arg10[%get3A_65, %get3A_66] : memref<1x1xf32, #tpu.memory_space<smem>>
    %add3A_68 = arith.addf %get3A_67, %reduce_sum3A_60 : f32
    %swap3A = arith.constant 0 : index
    %swap3A_69 = arith.constant 0 : index
    %swap3A_70 = memref.load %arg10[%swap3A, %swap3A_69] : memref<1x1xf32, #tpu.memory_space<smem>>
    memref.store %add3A_68, %arg10[%swap3A, %swap3A_69] : memref<1x1xf32, #tpu.memory_space<smem>>
    return
  }
  func.func @transform_0(%arg0: i32) -> (i32, i32, i32) {
    %c0_i32 = arith.constant 0 : i32
    %c0_i32_0 = arith.constant 0 : i32
    %c0_i32_1 = arith.constant 0 : i32
    return %c0_i32, %arg0, %c0_i32_0 : i32, i32, i32
  }
  func.func @transform_1(%arg0: i32) -> (i32, i32, i32) {
    %c1_i32 = arith.constant 1 : i32
    %c0_i32 = arith.constant 0 : i32
    %c0_i32_0 = arith.constant 0 : i32
    return %c1_i32, %arg0, %c0_i32 : i32, i32, i32
  }
  func.func @transform_2(%arg0: i32) -> (i32, i32, i32) {
    %c0_i32 = arith.constant 0 : i32
    %c0_i32_0 = arith.constant 0 : i32
    %c0_i32_1 = arith.constant 0 : i32
    return %arg0, %c0_i32, %c0_i32_0 : i32, i32, i32
  }
  func.func @transform_3(%arg0: i32) -> (i32, i32) {
    %c0_i32 = arith.constant 0 : i32
    %c0_i32_0 = arith.constant 0 : i32
    %c0_i32_1 = arith.constant 0 : i32
    return %c0_i32, %c0_i32_0 : i32, i32
  }
  func.func @transform_4(%arg0: i32) -> (i32, i32) {
    %c0_i32 = arith.constant 0 : i32
    %c0_i32_0 = arith.constant 0 : i32
    %c0_i32_1 = arith.constant 0 : i32
    return %c0_i32, %c0_i32_0 : i32, i32
  }
  func.func @transform_5(%arg0: i32) -> (i32, i32) {
    %c0_i32 = arith.constant 0 : i32
    %c0_i32_0 = arith.constant 0 : i32
    %c0_i32_1 = arith.constant 0 : i32
    return %c0_i32, %c0_i32_0 : i32, i32
  }
  func.func @transform_6(%arg0: i32) -> (i32, i32) {
    %c0_i32 = arith.constant 0 : i32
    %c0_i32_0 = arith.constant 0 : i32
    %c0_i32_1 = arith.constant 0 : i32
    return %c0_i32, %c0_i32_0 : i32, i32
  }
  func.func @transform_7(%arg0: i32) -> (i32, i32) {
    %c0_i32 = arith.constant 0 : i32
    %c0_i32_0 = arith.constant 0 : i32
    %c0_i32_1 = arith.constant 0 : i32
    return %c0_i32, %c0_i32_0 : i32, i32
  }
  func.func @transform_8(%arg0: i32) -> (i32, i32) {
    %c0_i32 = arith.constant 0 : i32
    %c0_i32_0 = arith.constant 0 : i32
    %c0_i32_1 = arith.constant 0 : i32
    return %c0_i32, %c0_i32_0 : i32, i32
  }
  func.func @transform_9(%arg0: i32) -> (i32, i32) {
    %c0_i32 = arith.constant 0 : i32
    %c0_i32_0 = arith.constant 0 : i32
    %c0_i32_1 = arith.constant 0 : i32
    return %c0_i32, %c0_i32_0 : i32, i32
  }
}

</mosaic_0001>

<sc_bundles>
// kernel: kernel.4.cloned.1.call-start
scs
__scs_entry_jumppad:
0x0: {  	(pc) =	sbr.rel $0x88, $3  }
0x1: {  	(tag) =	ssettag $0x0;
	lr =	simm.s32 $0x1  }
0x2: {  	[smem:$0x3F98] =	sst lr;
	_ =	strace $0xD0000000  }
0x3: {  	_ = 	snop  }
0x4: {  	_ = 	snop  }
0x5: {  	_ = 	snop  }
0x6: {  	_ = 	snop  }
0x7: {  	_ = 	snop  }
__scs_overlays_trampoline_lowered:
0x8: {  	[smem:$0x3FA7] =	sst s0  }
0x9: {  	[smem:$0x3FA8] =	sst s1  }
0xa: {  	[smem:$0x3FA9] =	sst s2  }
0xb: {  	[smem:$0x3FAA] =	sst s3  }
0xc: {  	[smem:$0x3FAB] =	sst s4  }
0xd: {  	[smem:$0x3FAC] =	sst s5  }
0xe: {  	[smem:$0x3FAD] =	sst s6  }
0xf: {  	[smem:$0x3FAE] =	sst s7  }
0x10: {  	[smem:$0x3FAF] =	sst s8  }
0x11: {  	[smem:$0x3FB0] =	sst s9;
	s0 =	simm.s32 @!p0 $0x0  }
0x12: {  	s1 =	sld [smem:$0x3F96];
	s0 =	simm.s32 @p0 $0x1  }
0x13: {  	[smem:$0x3FB1] =	sst s0;
	s0 =	simm.s32 @!p1 $0x0  }
0x14: {  	s2 =	sld [smem:$0x3F95];
	s0 =	simm.s32 @p1 $0x1  }
0x15: {  	[smem:$0x3FB2] =	sst s0;
	s0 =	simm.s32 @!p2 $0x0  }
0x16: {  	s3 =	sld [smem:$0x3FDB];
	s0 =	simm.s32 @p2 $0x1  }
0x17: {  	s4 =	simm.s32 $0x1BF5;
	[smem:$0x3FB4] =	sst s0  }
0x18: {  	s0 =	sld [smem:$0x3F97];
	_ =	swait.ge [sflag:s4], $0x0  }
0x19: {  	s7 =	sld [smem:$0x3F98]  }
0x1a: {  	s8 =	sadd.s32 $0xFFFFE003, lr  }
0x1b: {  	s9 =	sadd.s32 $0xFFFFFEF7, lr;
	s5 =	simm.s32 $0xFFFFFFFF;
	p2 =	slt.u32 s8, $0xFFFFF086  }
0x1c: {  	p1 =	slt.u32 s9, $0xF7A;
	s5 =	simm.s32 @!p2 $0x0  }
0x1d: {  	s5 =	simm.s32 @p1 $0x1;
	p0 =	seq.s32 s7, s2  }
0x1e: {  	s7 =	smul.u32 @!p0 $0xF7A, s2;
	p2 =	seq.s32 @!p0 s5, $0x0  }
0x1f: {  	s9 =	smul.u32 $0xF7A, s1;
	s8 =	simm.s32 @!p0 $0x1BF5;
	p2 =	por !p2, p0  }
0x20: {  	[sflag:s8] =	ssyncset.s32 @!p0 $0xFFFFF086;
	s6 =	sadd.s32 @!p0 s3, s7;
	s7 =	simm.s32 @!p0 $0x108  }
0x21: {  	s3 =	sadd.s32 s3, s9;
	s6 =	sadd.s32 @!p0 $0x88, s6;
	s7 =	simm.s32 @p2 $0x1082  }
0x22: {  	[simem:s7], [sflag:s8] =	dma.local @!p0 [hbm:s6], $0xF7A  }
0x23: {  	s9 =	sor.u32 $0xD0000000, s2;
	s6 =	simm.s32 $0x108;
	_ =	swait.ge @!p0 [sflag:s8], $0x0  }
0x24: {  	s3 =	sadd.s32 $0x88, s3;
	s6 =	simm.s32 @!p1 $0x1082;
	[sflag:s4] =	ssyncset.s32 $0xFFFFF086  }
0x25: {  	[simem:s6], [sflag:s4] =	dma.local [hbm:s3], $0xF7A  }
0x26: {  	[smem:$0x3F98] =	sst s1;
	(tag) =	ssettag s2;
	_ =	strace s9  }
0x27: {  	s1 =	sld [smem:$0x3FA8]  }
0x28: {  	s2 =	sld [smem:$0x3FA9]  }
0x29: {  	s4 =	sld [smem:$0x3FAB]  }
0x2a: {  	p0 =	seq.s32 s5, $0x0;
	s5 =	sld [smem:$0x3FAC]  }
0x2b: {  	s6 =	sld [smem:$0x3FAD]  }
0x2c: {  	s7 =	sld [smem:$0x3FAE]  }
0x2d: {  	s3 =	simm.s32 $0x108;
	s8 =	sld [smem:$0x3FAF]  }
0x2e: {  	s3 =	simm.s32 @!p0 $0x1082;
	s9 =	sld [smem:$0x3FB0]  }
0x2f: {  	lr =	sadd.s32 s0, s3;
	s0 =	sld [smem:$0x3FA7]  }
0x30: {  	s3 =	sld [smem:$0x3FAA]  }
0x31: {  	[smem:$0x3FB3] =	sst s10  }
0x32: {  	s10 =	sld [smem:$0x3FB1];
	_ =	sdelay $0x3  }
0x33: {  	p0 =	seq.s32 s10, $0x1;
	s10 =	sld [smem:$0x3FB3];
	_ =	sdelay $0x3  }
0x34: {  	[smem:$0x3FB3] =	sst s10  }
0x35: {  	s10 =	sld [smem:$0x3FB2];
	_ =	sdelay $0x3  }
0x36: {  	p1 =	seq.s32 s10, $0x1;
	s10 =	sld [smem:$0x3FB3];
	_ =	sdelay $0x3  }
0x37: {  	[smem:$0x3FB3] =	sst s10  }
0x38: {  	s10 =	sld [smem:$0x3FB4]  }
0x39: {  	_ = 	snop;
	(pc) =	sbr.ind lr, $3  }
0x3a: {  	_ = 	snop  }
0x3b: {  	_ = 	snop  }
0x3c: {  	p2 =	seq.s32 s10, $0x1;
	s10 =	sld [smem:$0x3FB3]  }
0x3d: {  	_ =	shalt  }
0x3e: {  	_ =	shalt  }
0x3f: {  	_ =	shalt  }
0x40: {  	_ =	shalt  }
0x41: {  	_ =	shalt  }
0x42: {  	_ =	shalt  }
0x43: {  	_ =	shalt  }
0x44: {  	_ =	shalt  }
0x45: {  	_ =	shalt  }
0x46: {  	_ =	shalt  }
0x47: {  	_ =	shalt  }
0x48: {  	_ =	shalt  }
0x49: {  	_ =	shalt  }
0x4a: {  	_ =	shalt  }
0x4b: {  	_ =	shalt  }
0x4c: {  	_ =	shalt  }
0x4d: {  	_ =	shalt  }
0x4e: {  	_ =	shalt  }
0x4f: {  	_ =	shalt  }
0x50: {  	_ =	shalt  }
0x51: {  	_ =	shalt  }
0x52: {  	_ =	shalt  }
0x53: {  	_ =	shalt  }
0x54: {  	_ =	shalt  }
0x55: {  	_ =	shalt  }
0x56: {  	_ =	shalt  }
0x57: {  	_ =	shalt  }
0x58: {  	_ =	shalt  }
0x59: {  	_ =	shalt  }
0x5a: {  	_ =	shalt  }
0x5b: {  	_ =	shalt  }
0x5c: {  	_ =	shalt  }
0x5d: {  	_ =	shalt  }
0x5e: {  	_ =	shalt  }
0x5f: {  	_ =	shalt  }
0x60: {  	_ =	shalt  }
0x61: {  	_ =	shalt  }
0x62: {  	_ =	shalt  }
0x63: {  	_ =	shalt  }
0x64: {  	_ =	shalt  }
0x65: {  	_ =	shalt  }
0x66: {  	_ =	shalt  }
0x67: {  	_ =	shalt  }
0x68: {  	_ =	shalt  }
0x69: {  	_ =	shalt  }
0x6a: {  	_ =	shalt  }
0x6b: {  	_ =	shalt  }
0x6c: {  	_ =	shalt  }
0x6d: {  	_ =	shalt  }
0x6e: {  	_ =	shalt  }
0x6f: {  	_ =	shalt  }
0x70: {  	_ =	shalt  }
0x71: {  	_ =	shalt  }
0x72: {  	_ =	shalt  }
0x73: {  	_ =	shalt  }
0x74: {  	_ =	shalt  }
0x75: {  	_ =	shalt  }
0x76: {  	_ =	shalt  }
0x77: {  	_ =	shalt  }
0x78: {  	_ =	shalt  }
0x79: {  	_ =	shalt  }
0x7a: {  	_ =	shalt  }
0x7b: {  	_ =	shalt  }
0x7c: {  	_ =	shalt  }
0x7d: {  	_ =	shalt  }
0x7e: {  	_ =	shalt  }
0x7f: {  	_ =	shalt  }
0x80: {  	_ =	shalt  }
0x81: {  	_ =	shalt  }
0x82: {  	_ =	shalt  }
0x83: {  	_ =	shalt  }
0x84: {  	_ =	shalt  }
0x85: {  	_ =	shalt  }
0x86: {  	_ =	shalt  }
0x87: {  	_ =	shalt  }
.Lfunc_end0:
.L_simem_size_0:
called_computation_lowered:
.L_overlay_start_0:
0x88: {  	s2 =	sld [smem:$0x3FD9]  }
0x89: {  	s3 =	sld [smem:$0x3FFE];
	_ =	sdelay $0x1  }
0x8a: {  	s1 =	srdreg.scid  }
0x8b: {  	s0 =	sand.u32 $0x1, s1  }
0x8c: {  	s16 =	sshll.u32 s0, $0xA;
	s2 =	sadd.s32 s3, s2  }
0x8d: {  	s2 =	sadd.s32 s2, s16  }
0x8e: {  	[smem:$0x3FBF] =	sst s2  }
0x8f: {  	_ = 	snop  }
0x90: {  	(tm) =	ssettm $0x1  }
0x91: {  	s17 =	sld [smem:$0x3FFB];
	_ =	sdelay $0x3  }
0x92: {  	_ =	strace s17  }
0x93: {  	s2 =	sld [smem:$0x3FFC];
	_ =	sdelay $0x3  }
0x94: {  	_ =	strace s2  }
0x95: {  	s2 =	sld [smem:$0x3FFD];
	_ =	sdelay $0x3  }
0x96: {  	_ =	strace s2  }
0x97: {  	_ =	strace $0x8FFFFFFF  }
0x98: {  	s18 =	sld [smem:$0x3FDB];
	_ =	sdelay $0x1  }
0x99: {  	s19 =	simm.s32 $_scs_section_size  }
0x9a: {  	s4 =	simm.s32 $_size__tile_overlayer_lowered;
	s5 =	simm.s32 $_tile_overlayer_lowered  }
0x9b: {  	s22 =	simm.s32 $0x1BFF;
	s21 =	sshll.u32 s5, $0x1;
	s2 =	sadd.s32 s19, s18  }
0x9c: {  	s6 =	simm.s32 $0x0;
	s20 =	sshll.u32 s4, $0x1;
	s4 =	sadd.s32 s21, s2  }
0x9d: {  	[timem:s6], [sflag:s22] =	dma.local [hbm:s4], s20  }
0x9e: {  	_ =	swait.ge [sflag:s22], s20  }
0x9f: {  	s3 =	ssub.s32 $0x0, s20;
	[sflag:s22] =	ssyncset.done $0x0  }
0xa0: {  	[sflag:s22] =	ssyncadd.s32 s3;
	_ =	sdelay $0x1  }
0xa1: {  	s23 =	simm.s32 $0x1B8B  }
0xa2: {  	_ =	swait.ge [sflag:s23], $0x1  }
0xa3: {  	[sflag:s23] =	ssyncset.done $0x0  }
0xa4: {  	s25 =	simm.s32 $0x1B8E;
	s24 =	sld [smem:$0x3FFE];
	[sflag:s23] =	ssyncadd.s32 $0xFFFFFFFF  }
0xa5: {  	s26 =	simm.s32 $execute0_lowered;
	[smem:$0x3FD2] =	sst s25  }
0xa6: {  	s4 =	sshll.u32 s26, $0x1;
	_ =	strace $0x80000046;
	[dreg:$0x1] =	wrdreg $0xFFFFFFFF  }
0xa7: {  	s28 =	simm.s32 $_size_execute0_lowered;
	s2 =	sadd.s32 s2, s4;
	[dreg:$0x0] =	wrdreg $0x0  }
0xa8: {  	s4 =	sshll.u32 s28, $0x1;
	[dreg:$0x2] =	wrdreg s2  }
0xa9: {  	[dreg:$0x3] =	wrdreg s4  }
0xaa: {  	[dreg:$0x4] =	wrdreg $0xC0  }
0xab: {  	_ =	task [dreg:s6], $0x5FFFF  }
0xac: {  	[dreg:$0x1] =	wrdreg $0xFFFFFFFF  }
0xad: {  	[dreg:$0x0] =	wrdreg $0x60  }
0xae: {  	[dreg:$0x2] =	wrdreg s24  }
0xaf: {  	[dreg:$0x3] =	wrdreg $0x0  }
0xb0: {  	[dreg:$0x4] =	wrdreg $0x9  }
0xb1: {  	_ =	task.clear_ibuf [dreg:s6], $0x5FFFF;
	_ =	strace $0x90000046  }
0xb2: {  	s29 =	simm.s32 $0x9;
	_ =	strace $0x80000048  }
0xb3: {  	_ =	swait.ge [sflag:s29], $0x1  }
0xb4: {  	[sflag:s29] =	ssyncadd.s32 $0xFFFFFFFF  }
0xb5: {  	_ =	strace $0x90000048  }
0xb6: {  	_ =	sfence  }
0xb7: {  	s30 =	sld [smem:$0x0];
	_ =	sdelay $0x2  }
0xb8: {  	s31 =	sshll.u32 s1, $0xD;
	s1 =	sshrl.u32 s1, $0x2  }
0xb9: {  	s3 =	sand.u32 $0x4000, s31;
	s1 =	sadd.s32 s1, s30  }
0xba: {  	s0 =	sor.u32 s3, s0;
	s1 =	sshll.u32 s1, $0x11  }
0xbb: {  	s0 =	sor.u32 s1, s0  }
0xbc: {  	s0 =	sadd.s32 $0x8F2B, s0  }
0xbd: {  	[sflag:s0] =	ssyncadd.remote.s32 $0x1  }
0xbe: {  	_ =	sfence.sel $0xFFFF  }
0xbf: {  	[dreg:$0x0] =	wrdreg $0xFFFFFFFF;
	(pc) =	sbr.abs _section_cstart, $3  }
0xc0: {  	[dreg:$0x1] =	wrdreg $0xFFFFFFFF  }
0xc1: {  	_ =	task.clear_ibuf [dreg:s6], $0x2FFFF;
	_ =	strace $0x9FFFFFFF  }
0xc2: {  	(tm) =	ssettm $0x7FFFFFFF  }
0xc3: {  	_ =	shalt  }
tec
execute0_lowered:
.L_overlay_start_1:
0x0: {  	(tag) =	ssettag $0x1  }
0x1: {  	s9 =	rddreg [dreg:$0x0]  }
0x2: {  	s2 =	rddreg [dreg:$0x1]  }
0x3: {  	s0 =	rddreg [dreg:$0x2]  }
0x4: {  	s3 =	simm.s32 $0x0;
	s4 =	srdreg.scid;
	s1 =	stileid.u32  }
0x5: {  	s15 =	simm.s32 $0x18A20;
	s16 =	simm.s32 $0x320;
	s17 =	simm.s32 $0x18D40  }
0x6: {  	s18 =	simm.s32 $0x1BF40;
	s21 =	simm.s32 $0x1;
	s22 =	simm.s32 $0x2  }
0x7: {  	s23 =	simm.s32 $0x0;
	[smem:$0x7FF] =	sst s3;
	s10 =	sand.u32 $0x1, s4  }
0x8: {  	s11 =	smul.u32 $0x18700, s1;
	s4 =	sadd.s32 $0x2E00, s9;
	s5 =	sadd.s32 $0x95800, s9  }
0x9: {  	s19 =	sshll.u32 s1, $0x6;
	_ =	strace $0x80000047;
	s7 =	smul.u32 $0x187000, s10  }
0xa: {  	s6 =	sshll.u32 s10, $0x4;
	s10 =	ssub.s32 $0x2, s10;
	s19 =	sor.u32 $0x1C03, s19  }
0xb: {  	s8 =	sor.u32 s1, s6;
	s6 =	sadd.s32 $0x33C00, s9;
	s31 =	sshrl.u32 s10, $0x1  }
0xc: {  	s20 =	sadd.s32 s11, s2;
	s12 =	sadd.s32 s11, s7;
	s7 =	smul.u32 $0x186A0, s8  }
0xd: {  	v0 =	vlaneseq.u32;
	s8 =	sadd.s32 $0xF7400, s9;
	s14 =	ssub.s32 s10, s31;
	s12 =	sshrl.u32 s12, $0x3  }
0xe: {  	v10 =	vmul.u32 $0x10, v0;
	s20 =	sshrl.u32 s20, $0x3;
	s12 =	sadd.s32 s12, s9;
	s13 =	sshrl.u32 s7, $0x3  }
0xf: {  	s9 =	sadd.s32 s5, s13;
	s10 =	sadd.s32 s6, s13;
	s11 =	sadd.s32 $0xFA600, s12  }
0x10: {  	[tilespmem:$0x1FFF0] =	vst v10;
	s12 =	smax.u32 s14, $0x1;
	s13 =	simm.s32 $0x18700;
	s14 =	simm.s32 $0x3  }
.LBB2_1:
0x11: {  	[tilespmem:s13], [sflag:$0x3] =	stream.linear.gather [hbm4b:s9+s3], $0x320, $0x38;
	[tilespmem:$0x1F140] =	vst v63  }
0x12: {  	_ =	swait.ge [sflag:s14], $0x320  }
0x13: {  	[sflag:s14] =	ssyncset.done $0x0  }
0x14: {  	[sflag:s14] =	ssyncadd.s32 $0xFFFFFCE0  }
0x15: {  	[tilespmem:s15], [sflag:$0x3] =	stream.linear.gather [hbm4b:s10+s3], $0x320, $0x38;
	[tilespmem:$0x1F140] =	vst v63  }
0x16: {  	_ =	swait.ge [sflag:s14], $0x320  }
0x17: {  	[sflag:s14] =	ssyncset.done $0x0  }
0x18: {  	[sflag:s14] =	ssyncadd.s32 $0xFFFFFCE0  }
0x19: {  	[tilespmem:s17], [sflag:$0x1] =	stream.indirect.gather [hbm4b:s4+s16], $0x10, s13, s16, $0xb8;
	[tilespmem:$0x1F140] =	vst v63  }
0x1a: {  	_ = 	snop  }
0x1b: {  	[tilespmem:s18], [sflag:$0x2] =	stream.indirect.gather [hbm4b:s4+s16], $0x10, s15, s16, $0xb8;
	[tilespmem:$0x1F140] =	vst v63  }
0x1c: {  	[spmem:s20], [sflag:s19] =	dma.local [hbm:s8], $0x30E0  }
0x1d: {  	_ =	swait.ge [sflag:s14], $0x30E0  }
0x1e: {  	[sflag:s14] =	ssyncset.done $0x0  }
0x1f: {  	[sflag:s14] =	ssyncadd.s32 $0xFFFFCF20  }
0x20: {  	s24 =	simm.s32 $0x0;
	[bflag:$0x0] =	sbarrier.arrive $0xFFFF  }
.LBB2_2:
0x21: {  	s25 =	simm.s32 $0x30  }
0x22: {  	v0 =	vmov s25  }
0x23: {  	_ =	swait.ge [sflag:s21], $0x3200;
	v0 =	vshll.u32 v0, $0x4  }
0x24: {  	[sflag:s21] =	ssyncset.done $0x0;
	v57 =	vor.u32 v10, v0  }
0x25: {  	[sflag:s21] =	ssyncadd.s32 $0xFFFFCE00  }
0x26: {  	_ =	swait.ge [sflag:s22], $0x3200;
	v4 =	vor.u32 $0x1, v57  }
0x27: {  	[sflag:s22] =	ssyncset.done $0x0;
	v7 =	vor.u32 $0x2, v57;
	[tilespmem:$0x1FC00] =	vst v4  }
0x28: {  	s28 =	simm.s32 $0x0;
	[sflag:s22] =	ssyncadd.s32 $0xFFFFCE00;
	[tilespmem:$0x1FC50] =	vst v7  }
0x29: {  	v0 =	vmov s28;
	v1 =	vld.idx.msk [tilespmem:v57+s17+$0x0], $0xffff  }
0x2a: {  	v0 =	vshll.u32 v0, $0x4;
	v2 =	vld.idx.msk [tilespmem:v57+s18+$0x0], $0xffff  }
0x2b: {  	s29 =	simm.s32 $0x10;
	v48 =	vor.u32 v10, v0;
	v0 =	vld.idx.msk [tilespmem:v4+s17+$0x0], $0xffff  }
0x2c: {  	v3 =	vmov s29;
	v4 =	vld.idx.msk [tilespmem:v4+s18+$0x0], $0xffff  }
0x2d: {  	s30 =	simm.s32 $0x20;
	v3 =	vshll.u32 v3, $0x4;
	v8 =	vor.u32 $0x1, v48;
	v6 =	vld.idx.msk [tilespmem:v7+s17+$0x0], $0xffff  }
0x2e: {  	v5 =	vmov s30;
	v39 =	vor.u32 v10, v3;
	v46 =	vld.idx.msk [tilespmem:v7+s18+$0x0], $0xffff  }
0x2f: {  	v3 =	vshll.u32 v5, $0x4;
	v9 =	vor.u32 $0x1, v39  }
0x30: {  	v3 =	vor.u32 v10, v3  }
0x31: {  	v11 =	vor.u32 $0x1, v3;
	v1 =	vsub.f32 v2, v1;
	v0 =	vsub.f32 v4, v0  }
0x32: {  	v47 =	vld.idx.msk [tilespmem:v8+s17+$0x0], $0xffff;
	[tilespmem:$0x1F840] =	vst v8  }
0x33: {  	v49 =	vld.idx.msk [tilespmem:v8+s18+$0x0], $0xffff;
	v2 =	vsub.f32 v46, v6;
	v1 =	vmul.f32 v1, v1;
	v0 =	vmul.f32 v0, v0  }
0x34: {  	v50 =	vld.idx.msk [tilespmem:v9+s17+$0x0], $0xffff;
	[tilespmem:$0x1F850] =	vst v9  }
0x35: {  	s31 =	simm.s32 $0x40;
	v51 =	vld.idx.msk [tilespmem:v9+s18+$0x0], $0xffff;
	v0 =	vadd.f32 v0, v1;
	v1 =	vmul.f32 v2, v2  }
0x36: {  	v52 =	vmov s31;
	v53 =	vld.idx.msk [tilespmem:v11+s17+$0x0], $0xffff;
	[tilespmem:$0x1F860] =	vst v11  }
0x37: {  	v54 =	vld.idx.msk [tilespmem:v11+s18+$0x0], $0xffff;
	v2 =	vshll.u32 v52, $0x4;
	v0 =	vadd.f32 v1, v0  }
0x38: {  	v55 =	vld.idx.msk [tilespmem:v48+s17+$0x0], $0xffff;
	v37 =	vor.u32 v10, v2  }
0x39: {  	v56 =	vld.idx.msk [tilespmem:v39+s17+$0x0], $0xffff;
	v2 =	vor.u32 $0x1, v37;
	v0 =	vadd.f32 $9.999999960e-13, v0  }
0x3a: {  	v12 =	vld.idx.msk [tilespmem:v39+s18+$0x0], $0xffff  }
0x3b: {  	v13 =	vld.idx.msk [tilespmem:v3+s17+$0x0], $0xffff;
	v14 =	vmin.f32 v0, $1.000000000e+08  }
0x3c: {  	v1 =	vld.idx.msk [tilespmem:v48+s18+$0x0], $0xffff;
	v15 =	vshra.s32 v14, $0x1;
	v16 =	vmul.f32 $5.000000000e-01, v14  }
0x3d: {  	v24 =	vor.u32 $0x2, v48;
	v0 =	vld.idx.msk [tilespmem:v3+s18+$0x0], $0xffff;
	v15 =	vsub.s32 $0x5F3759DF, v15  }
0x3e: {  	v17 =	vld.idx.msk [tilespmem:v2+s17+$0x0], $0xffff;
	[tilespmem:$0x1F870] =	vst v2;
	v19 =	vmul.f32 v15, v16  }
0x3f: {  	v23 =	vor.u32 $0x2, v39;
	v18 =	vld.idx.msk [tilespmem:v2+s18+$0x0], $0xffff  }
0x40: {  	v20 =	vld.idx.msk [tilespmem:v37+s17+$0x0], $0xffff;
	v19 =	vmul.f32 v15, v19  }
0x41: {  	v22 =	vor.u32 $0x2, v3;
	v21 =	vld.idx.msk [tilespmem:v37+s18+$0x0], $0xffff  }
0x42: {  	v58 =	vld.idx.msk [tilespmem:v24+s17+$0x0], $0xffff;
	[tilespmem:$0x1F880] =	vst v24;
	v19 =	vsub.f32 $1.500000000e+00, v19  }
0x43: {  	v4 =	vsub.f32 v49, v47;
	v59 =	vld.idx.msk [tilespmem:v24+s18+$0x0], $0xffff  }
0x44: {  	v5 =	vsub.f32 v51, v50;
	v61 =	vld.idx.msk [tilespmem:v23+s17+$0x0], $0xffff;
	[tilespmem:$0x1F890] =	vst v23;
	v63 =	vmul.f32 v15, v19  }
0x45: {  	v4 =	vmul.f32 v4, v4;
	v60 =	vsub.f32 v12, v56;
	v1 =	vsub.f32 v1, v55;
	v62 =	vld.idx.msk [tilespmem:v23+s18+$0x0], $0xffff  }
0x46: {  	v5 =	vmul.f32 v5, v5;
	v2 =	vor.u32 $0x2, v37;
	v23 =	vld.idx.msk [tilespmem:v22+s17+$0x0], $0xffff;
	[tilespmem:$0x1F8A0] =	vst v22;
	v19 =	vmul.f32 v63, v16  }
0x47: {  	v6 =	vsub.f32 v54, v53;
	v10 =	vmul.f32 v60, v60;
	v1 =	vmul.f32 v1, v1;
	v24 =	vld.idx.msk [tilespmem:v22+s18+$0x0], $0xffff  }
0x48: {  	v27 =	vsub.f32 v18, v17;
	v7 =	vsub.f32 v59, v58;
	v17 =	vmul.f32 v19, v63  }
0x49: {  	v6 =	vmul.f32 v6, v6;
	v25 =	vadd.f32 v5, v10;
	v0 =	vsub.f32 v0, v13  }
0x4a: {  	v1 =	vadd.f32 v4, v1;
	v7 =	vmul.f32 v7, v7;
	v35 =	vsub.f32 $1.500000000e+00, v17  }
0x4b: {  	v0 =	vmul.f32 v0, v0;
	v26 =	vld.idx.msk [tilespmem:v2+s17+$0x0], $0xffff;
	[tilespmem:$0x1F8B0] =	vst v2;
	v33 =	vsub.f32 v62, v61  }
0x4c: {  	v32 =	vld.idx.msk [tilespmem:v2+s18+$0x0], $0xffff;
	v13 =	vsub.f32 v24, v23;
	v1 =	vadd.f32 v7, v1;
	v36 =	vmul.f32 v35, v63  }
0x4d: {  	v34 =	vsub.f32 v21, v20;
	v0 =	vadd.f32 v6, v0;
	v6 =	vmul.f32 v33, v33  }
0x4e: {  	v38 =	vmul.f32 v13, v13;
	v1 =	vadd.f32 $9.999999960e-13, v1;
	v41 =	vmul.f32 v36, v16  }
0x4f: {  	v10 =	vmul.f32 v27, v27;
	v9 =	vmul.f32 v34, v34;
	v4 =	vadd.f32 v6, v25  }
0x50: {  	v6 =	vadd.f32 v38, v0;
	v0 =	vmin.f32 v1, $1.000000000e+08;
	v1 =	vmul.f32 v41, v36  }
0x51: {  	v40 =	vadd.f32 v10, v9;
	v5 =	vsub.f32 v32, v26  }
0x52: {  	v4 =	vadd.f32 $9.999999960e-13, v4;
	v1 =	vsub.f32 $1.500000000e+00, v1  }
0x53: {  	v43 =	vadd.f32 $9.999999960e-13, v6;
	v45 =	vshra.s32 v0, $0x1;
	v46 =	vmul.f32 $5.000000000e-01, v0  }
0x54: {  	v42 =	vmul.f32 v5, v5;
	v52 =	vsub.s32 $0x5F3759DF, v45;
	v7 =	vmul.f32 v1, v36  }
0x55: {  	v5 =	vmin.f32 v4, $1.000000000e+08;
	v4 =	vmin.f32 v43, $1.000000000e+08;
	v54 =	vmul.f32 v52, v46  }
0x56: {  	v51 =	vshra.s32 v4, $0x1;
	v53 =	vmul.f32 $5.000000000e-01, v4;
	v14 =	vmul.f32 v7, v14  }
0x57: {  	v44 =	vadd.f32 v42, v40;
	v13 =	vsub.s32 $0x5F3759DF, v51;
	v11 =	vmul.f32 v52, v54  }
0x58: {  	v47 =	vshra.s32 v5, $0x1;
	v18 =	vmul.f32 v13, v53;
	v17 =	vmul.f32 $6.283185480e-01, v14  }
0x59: {  	v50 =	vmul.f32 $5.000000000e-01, v5;
	v49 =	vadd.f32 $9.999999960e-13, v44;
	v20 =	vsub.f32 $1.500000000e+00, v11  }
0x5a: {  	v16 =	vsub.s32 $0x5F3759DF, v47;
	v18 =	vmul.f32 v13, v18;
	v17 =	vmul.f32 v17, v17  }
0x5b: {  	v56 =	vmul.f32 v16, v50;
	v1 =	vmin.f32 v49, $1.000000000e+08;
	v15 =	vmul.f32 v52, v20  }
0x5c: {  	v18 =	vsub.f32 $1.500000000e+00, v18;
	v12 =	vshra.s32 v1, $0x1;
	v59 =	vmul.f32 $4.779477260e-14, v17  }
0x5d: {  	v8 =	vmul.f32 $5.000000000e-01, v1;
	v55 =	vsub.s32 $0x5F3759DF, v12;
	v58 =	vadd.f32 $-3.333333430e-01, v14  }
0x5e: {  	v12 =	vmul.f32 v16, v56;
	v61 =	vadd.f32 $-1.000000000e+00, v14;
	v22 =	vadd.f32 $-1.147074540e-11, v59  }
0x5f: {  	v19 =	vmul.f32 v55, v8;
	v20 =	vadd.f32 $-1.333333370e+00, v14;
	v62 =	vadd.f32 $-1.666666630e+00, v14  }
0x60: {  	v25 =	vadd.f32 $-2.000000000e+00, v14;
	v28 =	vadd.f32 $-2.333333250e+00, v14;
	v22 =	vmul.f32 v22, v17  }
0x61: {  	v26 =	vmul.f32 v14, v14;
	v29 =	vadd.f32 $-2.666666750e+00, v14;
	v30 =	vadd.f32 $-3.000000000e+00, v14  }
0x62: {  	v13 =	vmul.f32 v13, v18;
	v31 =	vadd.f32 $-3.333333250e+00, v14;
	v22 =	vadd.f32 $2.087675590e-09, v22  }
0x63: {  	v32 =	vadd.f32 $-3.666666750e+00, v14;
	v60 =	vmul.f32 v55, v19;
	v26 =	vmul.f32 $-2.000000000e+00, v26  }
0x64: {  	v33 =	vadd.f32 $-4.000000000e+00, v14;
	v21 =	vmul.f32 v58, v58;
	v22 =	vmul.f32 v22, v17  }
0x65: {  	v34 =	vadd.f32 $-4.333333490e+00, v14;
	v23 =	vmul.f32 v61, v61;
	v20 =	vmul.f32 v20, v20  }
0x66: {  	v24 =	vmul.f32 v62, v62;
	v25 =	vmul.f32 v25, v25;
	v22 =	vadd.f32 $-2.755732000e-07, v22  }
0x67: {  	v35 =	vadd.f32 $-4.666666510e+00, v14;
	v28 =	vmul.f32 v28, v28;
	v29 =	vmul.f32 v29, v29  }
0x68: {  	v36 =	vadd.f32 $-5.000000000e+00, v14;
	v30 =	vmul.f32 v30, v30;
	v22 =	vmul.f32 v22, v17  }
0x69: {  	v12 =	vsub.f32 $1.500000000e+00, v12;
	v31 =	vmul.f32 v31, v31;
	v32 =	vmul.f32 v32, v32  }
0x6a: {  	v33 =	vmul.f32 v33, v33;
	v34 =	vmul.f32 v34, v34;
	v22 =	vadd.f32 $2.480158760e-05, v22  }
0x6b: {  	v19 =	vadd.f32 $-6.666666860e-01, v14;
	v35 =	vmul.f32 v35, v35;
	v36 =	vmul.f32 v36, v36  }
0x6c: {  	v12 =	vmul.f32 v16, v12;
	v22 =	vmul.f32 v22, v17  }
0x6d: {  	v19 =	vmul.f32 v19, v19;
	v26 =	vmul.f32 $1.442695020e+00, v26  }
0x6e: {  	v21 =	vmul.f32 $-2.000000000e+00, v21;
	v23 =	vmul.f32 $-2.000000000e+00, v23;
	v22 =	vadd.f32 $-1.388888920e-03, v22  }
0x6f: {  	v20 =	vmul.f32 $-2.000000000e+00, v20;
	v24 =	vmul.f32 $-2.000000000e+00, v24  }
0x70: {  	v25 =	vmul.f32 $-2.000000000e+00, v25;
	v22 =	vmul.f32 v22, v17  }
0x71: {  	v28 =	vmul.f32 $-2.000000000e+00, v28;
	v29 =	vmul.f32 $-2.000000000e+00, v29  }
0x72: {  	v30 =	vmul.f32 $-2.000000000e+00, v30;
	v31 =	vmul.f32 $-2.000000000e+00, v31;
	v22 =	vadd.f32 $4.166666790e-02, v22  }
0x73: {  	v32 =	vmul.f32 $-2.000000000e+00, v32;
	v33 =	vmul.f32 $-2.000000000e+00, v33  }
0x74: {  	v34 =	vmul.f32 $-2.000000000e+00, v34;
	v22 =	vmul.f32 v22, v17  }
0x75: {  	v35 =	vmul.f32 $-2.000000000e+00, v35;
	v36 =	vmul.f32 $-2.000000000e+00, v36  }
0x76: {  	v19 =	vmul.f32 $-2.000000000e+00, v19;
	v21 =	vmul.f32 $1.442695020e+00, v21;
	v22 =	vadd.f32 $-5.000000000e-01, v22  }
0x77: {  	(erf) = vpow2.f32 v26;
	v23 =	vmul.f32 $1.442695020e+00, v23  }
0x78: {  	v19 =	vmul.f32 $1.442695020e+00, v19;
	v17 =	vmul.f32 v22, v17  }
0x79: {  	v20 =	vmul.f32 $1.442695020e+00, v20;
	(erf) = vpow2.f32 v21  }
0x7a: {  	v24 =	vmul.f32 $1.442695020e+00, v24;
	(erf) = vpow2.f32 v19;
	v17 =	vadd.f32 $1.000000000e+00, v17  }
0x7b: {  	v25 =	vmul.f32 $1.442695020e+00, v25;
	(erf) = vpow2.f32 v23  }
0x7c: {  	(erf) = vpow2.f32 v20;
	v17 =	vmul.f32 $5.000000000e-01, v17  }
0x7d: {  	v63 =	vmul.f32 $1.442695020e+00, v28;
	(erf) = vpow2.f32 v24  }
0x7e: {  	v28 =	vmul.f32 $1.442695020e+00, v29;
	(erf) = vpow2.f32 v25;
	v17 =	vadd.f32 $5.000000000e-01, v17  }
0x7f: {  	vm0 =	vlt.f32 v14, $5.000000000e+00;
	v38 =	vmul.f32 $1.442695020e+00, v30;
	(erf) = vpow2.f32 v63  }
0x80: {  	v19 =	vmul.f32 $1.442695020e+00, v31;
	(erf) = vpow2.f32 v28;
	v44 =	vpop (erf);
	v17 =	vnsel vm0, $0x0, v17  }
0x81: {  	(erf) = vpow2.f32 v38;
	v2 =	vmul.f32 v17, v44  }
0x82: {  	v11 =	vsub.f32 $1.500000000e+00, v60;
	v45 =	vmul.f32 v12, v50;
	(erf) = vpow2.f32 v19;
	v16 =	vpop (erf)  }
0x83: {  	v19 =	vmul.f32 v15, v46;
	[tilespmem:$0x1FBC0] =	vst v2;
	v2 =	vmul.f32 v17, v16  }
0x84: {  	v11 =	vmul.f32 v55, v11;
	v40 =	vmul.f32 $1.442695020e+00, v32;
	v16 =	vpop (erf)  }
0x85: {  	v19 =	vmul.f32 v19, v15;
	[tilespmem:$0x1FC10] =	vst v2;
	v2 =	vmul.f32 v17, v16  }
0x86: {  	v41 =	vmul.f32 $1.442695020e+00, v34;
	v21 =	vmul.f32 v45, v12;
	v16 =	vpop (erf)  }
0x87: {  	v42 =	vmul.f32 $1.442695020e+00, v35;
	[tilespmem:$0x1FC60] =	vst v2;
	v2 =	vmul.f32 v17, v16;
	v16 =	vsub.f32 $1.500000000e+00, v19  }
0x88: {  	v43 =	vmul.f32 $1.442695020e+00, v36;
	v47 =	vmul.f32 v11, v8;
	v19 =	vsub.f32 $1.500000000e+00, v21  }
0x89: {  	v20 =	vmul.f32 $1.442695020e+00, v33;
	v15 =	vmul.f32 v16, v15  }
0x8a: {  	v18 =	vpop (erf);
	v12 =	vmul.f32 v19, v12;
	v16 =	vmul.f32 v13, v53  }
0x8b: {  	[tilespmem:$0x1FCB0] =	vst v2;
	v2 =	vmul.f32 v17, v18;
	v9 =	vmul.f32 v15, v46  }
0x8c: {  	v18 =	vpop (erf);
	v10 =	vmul.f32 v12, v50;
	v16 =	vmul.f32 v16, v13  }
0x8d: {  	(erf) = vpow2.f32 v40;
	[tilespmem:$0x1FCF0] =	vst v2;
	v2 =	vmul.f32 v17, v18  }
0x8e: {  	v18 =	vpop (erf);
	v9 =	vmul.f32 v9, v15;
	v10 =	vmul.f32 v10, v12  }
0x8f: {  	(erf) = vpow2.f32 v20;
	[tilespmem:$0x1FD30] =	vst v2;
	v46 =	vsub.f32 $1.500000000e+00, v16;
	v2 =	vmul.f32 v17, v18  }
0x90: {  	(erf) = vpow2.f32 v41;
	v16 =	vpop (erf);
	v9 =	vsub.f32 $1.500000000e+00, v9;
	v10 =	vsub.f32 $1.500000000e+00, v10  }
0x91: {  	[tilespmem:$0x1FD70] =	vst v2;
	v13 =	vmul.f32 v46, v13;
	v2 =	vmul.f32 v17, v16  }
0x92: {  	v9 =	vmul.f32 v9, v15;
	v10 =	vmul.f32 v10, v12  }
0x93: {  	(erf) = vpow2.f32 v42;
	v6 =	vmul.f32 v13, v53  }
0x94: {  	[tilespmem:$0x1FDB0] =	vst v2;
	v7 =	vmul.f32 v9, v0;
	v2 =	vmul.f32 v10, v5  }
0x95: {  	v49 =	vpop (erf);
	v6 =	vmul.f32 v6, v13;
	v5 =	vmul.f32 v47, v11  }
0x96: {  	(erf) = vpow2.f32 v43;
	v0 =	vmul.f32 v17, v49  }
0x97: {  	v50 =	vmul.f32 $6.283185480e-01, v7;
	v52 =	vsub.f32 $1.500000000e+00, v6;
	v5 =	vsub.f32 $1.500000000e+00, v5  }
0x98: {  	v53 =	vpop (erf);
	v51 =	vmul.f32 $6.283185480e-01, v2;
	v16 =	vadd.f32 $-6.666666860e-01, v7;
	v33 =	vadd.f32 $-1.333333370e+00, v7  }
0x99: {  	[tilespmem:$0x1FDF0] =	vst v0;
	v0 =	vmul.f32 v17, v53;
	v19 =	vadd.f32 $-1.666666630e+00, v7;
	v36 =	vadd.f32 $-2.000000000e+00, v7  }
0x9a: {  	v41 =	vadd.f32 $-3.000000000e+00, v7;
	v42 =	vadd.f32 $-3.333333250e+00, v7;
	v54 =	vmul.f32 v50, v50  }
0x9b: {  	v55 =	vpop (erf);
	v28 =	vadd.f32 $-4.666666510e+00, v7;
	v6 =	vmul.f32 v51, v51;
	v9 =	vmul.f32 v52, v13  }
0x9c: {  	v29 =	vadd.f32 $-5.000000000e+00, v7;
	[tilespmem:$0x1FE30] =	vst v0;
	v11 =	vmul.f32 v5, v11;
	v0 =	vmul.f32 v17, v55  }
0x9d: {  	v30 =	vadd.f32 $-3.333333430e-01, v2;
	v16 =	vmul.f32 v16, v16;
	v14 =	vmul.f32 v33, v33  }
0x9e: {  	v31 =	vadd.f32 $-6.666666860e-01, v2;
	v19 =	vmul.f32 v19, v19;
	v21 =	vmul.f32 v36, v36  }
0x9f: {  	v45 =	vadd.f32 $-1.000000000e+00, v2;
	v23 =	vmul.f32 v41, v41;
	v24 =	vmul.f32 v42, v42  }
0xa0: {  	v46 =	vadd.f32 $-1.333333370e+00, v2;
	v28 =	vmul.f32 v28, v28;
	v29 =	vmul.f32 v29, v29  }
0xa1: {  	v47 =	vadd.f32 $-1.666666630e+00, v2;
	v30 =	vmul.f32 v30, v30;
	v31 =	vmul.f32 v31, v31  }
0xa2: {  	v52 =	vmul.f32 v45, v45;
	v53 =	vmul.f32 v46, v46  }
0xa3: {  	v55 =	vmul.f32 v47, v47;
	v10 =	vmul.f32 $4.779477260e-14, v54  }
0xa4: {  	v61 =	vpop (erf);
	v5 =	vadd.f32 $-3.333333430e-01, v7;
	v12 =	vmul.f32 $4.779477260e-14, v6;
	v27 =	vmul.f32 v9, v4  }
0xa5: {  	v50 =	vadd.f32 $-2.333333250e+00, v2;
	[tilespmem:$0x1FE70] =	vst v0;
	v8 =	vmul.f32 v11, v8;
	v0 =	vmul.f32 v17, v61  }
0xa6: {  	v13 =	vmul.f32 v5, v5;
	v16 =	vmul.f32 $-2.000000000e+00, v16  }
0xa7: {  	v15 =	vmul.f32 v50, v50;
	v14 =	vmul.f32 $-2.000000000e+00, v14  }
0xa8: {  	v19 =	vmul.f32 $-2.000000000e+00, v19;
	v21 =	vmul.f32 $-2.000000000e+00, v21  }
0xa9: {  	v23 =	vmul.f32 $-2.000000000e+00, v23;
	v24 =	vmul.f32 $-2.000000000e+00, v24  }
0xaa: {  	v28 =	vmul.f32 $-2.000000000e+00, v28;
	v29 =	vmul.f32 $-2.000000000e+00, v29  }
0xab: {  	v30 =	vmul.f32 $-2.000000000e+00, v30;
	v31 =	vmul.f32 $-2.000000000e+00, v31  }
0xac: {  	v62 =	vpop (erf);
	v33 =	vmul.f32 $-2.000000000e+00, v55;
	v59 =	vmul.f32 $6.283185480e-01, v27  }
0xad: {  	v8 =	vmul.f32 v8, v11;
	[tilespmem:$0x1FEB0] =	vst v0;
	v0 =	vmul.f32 v17, v62  }
0xae: {  	v13 =	vmul.f32 $-2.000000000e+00, v13;
	v16 =	vmul.f32 $1.442695020e+00, v16  }
0xaf: {  	v56 =	vadd.f32 $-1.147074540e-11, v10;
	v14 =	vmul.f32 $1.442695020e+00, v14;
	v19 =	vmul.f32 $1.442695020e+00, v19  }
0xb0: {  	v58 =	vadd.f32 $-1.147074540e-11, v12;
	v21 =	vmul.f32 $1.442695020e+00, v21;
	v23 =	vmul.f32 $1.442695020e+00, v23  }
0xb1: {  	v24 =	vmul.f32 $1.442695020e+00, v24;
	v15 =	vmul.f32 $-2.000000000e+00, v15  }
0xb2: {  	v25 =	vpop (erf);
	v43 =	vadd.f32 $-4.000000000e+00, v7;
	v60 =	vmul.f32 v56, v54;
	v9 =	vmul.f32 v58, v6  }
0xb3: {  	v49 =	vadd.f32 $-2.000000000e+00, v2;
	v4 =	vmul.f32 v59, v59;
	[tilespmem:$0x1FF00] =	vst v0;
	v0 =	vmul.f32 v17, v25  }
0xb4: {  	v8 =	vsub.f32 $1.500000000e+00, v8;
	v25 =	vmul.f32 v43, v43;
	v13 =	vmul.f32 $1.442695020e+00, v13  }
0xb5: {  	v56 =	vmul.f32 v49, v49;
	v15 =	vmul.f32 $1.442695020e+00, v15  }
0xb6: {  	v35 =	vpop (erf);
	v51 =	vadd.f32 $-2.666666750e+00, v2;
	v63 =	vmul.f32 $4.779477260e-14, v4;
	v8 =	vmul.f32 v8, v11  }
0xb7: {  	v12 =	vadd.f32 $2.087675590e-09, v60;
	[tilespmem:$0x1FF40] =	vst v0;
	v0 =	vmul.f32 v17, v35;
	(erf) = vpow2.f32 v13  }
0xb8: {  	v9 =	vadd.f32 $2.087675590e-09, v9;
	v13 =	vmul.f32 v51, v51;
	v25 =	vmul.f32 $-2.000000000e+00, v25  }
0xb9: {  	(erf) = vpow2.f32 v16;
	v16 =	vadd.f32 $-3.000000000e+00, v2;
	v12 =	vmul.f32 v12, v54  }
0xba: {  	v9 =	vmul.f32 v9, v6;
	v10 =	vadd.f32 $-1.147074540e-11, v63;
	v8 =	vmul.f32 v8, v1  }
0xbb: {  	v32 =	vadd.f32 $-1.000000000e+00, v7;
	v13 =	vmul.f32 $-2.000000000e+00, v13;
	v16 =	vmul.f32 v16, v16  }
0xbc: {  	v1 =	vmul.f32 v10, v4;
	v18 =	vmul.f32 $6.283185480e-01, v8  }
0xbd: {  	v26 =	vadd.f32 $-2.755732000e-07, v12;
	v12 =	vmul.f32 v32, v32;
	v32 =	vmul.f32 $-2.000000000e+00, v53  }
0xbe: {  	v9 =	vadd.f32 $-2.755732000e-07, v9;
	v13 =	vmul.f32 $1.442695020e+00, v13;
	v62 =	vmul.f32 $-2.000000000e+00, v16  }
0xbf: {  	v44 =	vadd.f32 $-4.333333490e+00, v7;
	v16 =	vmul.f32 $1.442695020e+00, v25;
	v34 =	vmul.f32 v26, v54  }
0xc0: {  	v9 =	vmul.f32 v9, v6;
	v20 =	vadd.f32 $2.087675590e-09, v1;
	v1 =	vmul.f32 v18, v18  }
0xc1: {  	v58 =	vadd.f32 $-3.666666750e+00, v2;
	v26 =	vmul.f32 v44, v44;
	v12 =	vmul.f32 $-2.000000000e+00, v12  }
0xc2: {  	v10 =	vadd.f32 $2.480158760e-05, v34;
	v38 =	vmul.f32 v20, v4;
	v11 =	vmul.f32 $4.779477260e-14, v1  }
0xc3: {  	v9 =	vadd.f32 $2.480158760e-05, v9;
	v18 =	vpop (erf);
	v12 =	vmul.f32 $1.442695020e+00, v12;
	v26 =	vmul.f32 $-2.000000000e+00, v26  }
0xc4: {  	[tilespmem:$0x1FF80] =	vst v0;
	v20 =	vadd.f32 $-2.333333250e+00, v7;
	v34 =	vmul.f32 $-2.000000000e+00, v56;
	v0 =	vmul.f32 v17, v18  }
0xc5: {  	v17 =	vadd.f32 $-2.666666750e+00, v7;
	v10 =	vmul.f32 v10, v54;
	v9 =	vmul.f32 v9, v6  }
0xc6: {  	v18 =	vadd.f32 $-2.755732000e-07, v38;
	v20 =	vmul.f32 v20, v20;
	(erf) = vpow2.f32 v12  }
0xc7: {  	v11 =	vadd.f32 $-1.147074540e-11, v11;
	v17 =	vmul.f32 v17, v17;
	(erf) = vpow2.f32 v14  }
0xc8: {  	v14 =	vmul.f32 v58, v58;
	v40 =	vadd.f32 $-1.388888920e-03, v10;
	v10 =	vmul.f32 v18, v4  }
0xc9: {  	v59 =	vadd.f32 $-4.333333490e+00, v2;
	v20 =	vmul.f32 $-2.000000000e+00, v20;
	(erf) = vpow2.f32 v19  }
0xca: {  	v11 =	vmul.f32 v11, v1;
	v17 =	vmul.f32 $-2.000000000e+00, v17  }
0xcb: {  	v9 =	vadd.f32 $-1.388888920e-03, v9;
	(erf) = vpow2.f32 v21;
	v21 =	vmul.f32 v59, v59  }
0xcc: {  	v18 =	vadd.f32 $-3.666666750e+00, v7;
	v14 =	vmul.f32 $-2.000000000e+00, v14;
	v59 =	vmul.f32 $1.442695020e+00, v62  }
0xcd: {  	v19 =	vadd.f32 $-4.000000000e+00, v2;
	v22 =	vmul.f32 v40, v54;
	v9 =	vmul.f32 v9, v6  }
0xce: {  	v18 =	vmul.f32 v18, v18;
	v20 =	vmul.f32 $1.442695020e+00, v20  }
0xcf: {  	v19 =	vmul.f32 v19, v19;
	v17 =	vmul.f32 $1.442695020e+00, v17  }
0xd0: {  	v10 =	vadd.f32 $2.480158760e-05, v10;
	v14 =	vmul.f32 $1.442695020e+00, v14;
	v18 =	vmul.f32 $-2.000000000e+00, v18  }
0xd1: {  	v22 =	vadd.f32 $4.166666790e-02, v22;
	(erf) = vpow2.f32 v20;
	v63 =	vmul.f32 $-2.000000000e+00, v19  }
0xd2: {  	v60 =	vadd.f32 $-3.333333430e-01, v27;
	v19 =	vmul.f32 $1.442695020e+00, v29;
	v10 =	vmul.f32 v10, v4  }
0xd3: {  	v20 =	vadd.f32 $-4.666666510e+00, v2;
	(erf) = vpow2.f32 v17;
	v22 =	vmul.f32 v22, v54  }
0xd4: {  	v9 =	vadd.f32 $4.166666790e-02, v9;
	v18 =	vmul.f32 $1.442695020e+00, v18;
	(erf) = vpow2.f32 v23  }
0xd5: {  	v17 =	vadd.f32 $-5.000000000e+00, v2;
	v20 =	vmul.f32 v20, v20;
	v23 =	vmul.f32 v60, v60  }
0xd6: {  	v61 =	vadd.f32 $-6.666666860e-01, v27;
	v9 =	vmul.f32 v9, v6;
	v62 =	vmul.f32 $1.442695020e+00, v63  }
0xd7: {  	(erf) = vpow2.f32 v24;
	v17 =	vmul.f32 v17, v17  }
0xd8: {  	v10 =	vadd.f32 $-1.388888920e-03, v10;
	v24 =	vmul.f32 v61, v61;
	(erf) = vpow2.f32 v18  }
0xd9: {  	v41 =	vmul.f32 $-2.000000000e+00, v20;
	v44 =	vmul.f32 $-2.000000000e+00, v23  }
0xda: {  	v20 =	vmul.f32 $1.442695020e+00, v33;
	v10 =	vmul.f32 v10, v4  }
0xdb: {  	v22 =	vadd.f32 $-5.000000000e-01, v22;
	v43 =	vmul.f32 $-2.000000000e+00, v17;
	v46 =	vmul.f32 $-2.000000000e+00, v24  }
0xdc: {  	v18 =	vadd.f32 $-1.000000000e+00, v27;
	v17 =	vmul.f32 $1.442695020e+00, v26;
	(erf) = vpow2.f32 v16  }
0xdd: {  	[tilespmem:$0x1FFC0] =	vst v0;
	v9 =	vadd.f32 $-5.000000000e-01, v9;
	v16 =	vmul.f32 $1.442695020e+00, v30;
	v0 =	vmul.f32 v22, v54  }
0xde: {  	v18 =	vmul.f32 v18, v18;
	v22 =	vmul.f32 $-2.000000000e+00, v52  }
0xdf: {  	v23 =	vadd.f32 $-1.333333370e+00, v27;
	v35 =	vmul.f32 v9, v6;
	v24 =	vmul.f32 $1.442695020e+00, v44  }
0xe0: {  	v47 =	vmul.f32 $-2.000000000e+00, v18;
	v18 =	vmul.f32 $1.442695020e+00, v28  }
0xe1: {  	v45 =	vpop (erf);
	v6 =	vmul.f32 v23, v23;
	(erf) = vpow2.f32 v17  }
0xe2: {  	v49 =	vpop (erf);
	v17 =	vmul.f32 $1.442695020e+00, v31;
	(erf) = vpow2.f32 v18  }
0xe3: {  	v50 =	vpop (erf);
	v25 =	vmul.f32 $1.442695020e+00, v46;
	(erf) = vpow2.f32 v19  }
0xe4: {  	v51 =	vpop (erf);
	v54 =	vadd.f32 $-3.333333250e+00, v2;
	v18 =	vmul.f32 $1.442695020e+00, v22;
	(erf) = vpow2.f32 v16  }
0xe5: {  	v52 =	vpop (erf);
	v19 =	vmul.f32 $1.442695020e+00, v32;
	(erf) = vpow2.f32 v17  }
0xe6: {  	v26 =	vadd.f32 $-1.666666630e+00, v27;
	v53 =	vpop (erf);
	v12 =	vmul.f32 v54, v54;
	(erf) = vpow2.f32 v18  }
0xe7: {  	v54 =	vmul.f32 $1.442695020e+00, v34;
	v55 =	vpop (erf);
	(erf) = vpow2.f32 v19  }
0xe8: {  	v9 =	vmul.f32 v26, v26;
	v56 =	vpop (erf);
	(erf) = vpow2.f32 v20  }
0xe9: {  	[tilespmem:$0x1F930] =	vst v45;
	v12 =	vmul.f32 $-2.000000000e+00, v12;
	v58 =	vpop (erf);
	(erf) = vpow2.f32 v54  }
0xea: {  	v45 =	vadd.f32 $-2.666666750e+00, v27;
	[tilespmem:$0x1F8D0] =	vst v0;
	v0 =	vmul.f32 $-2.000000000e+00, v21;
	v60 =	vpop (erf);
	(erf) = vpow2.f32 v15  }
0xeb: {  	v12 =	vmul.f32 $1.442695020e+00, v12;
	v61 =	vpop (erf);
	(erf) = vpow2.f32 v13  }
0xec: {  	v46 =	vmul.f32 v45, v45;
	v38 =	vpop (erf);
	(erf) = vpow2.f32 v59  }
0xed: {  	v21 =	vmul.f32 $1.442695020e+00, v41;
	v63 =	vpop (erf);
	(erf) = vpow2.f32 v12  }
0xee: {  	v5 =	vmul.f32 $1.442695020e+00, v0;
	v0 =	vpop (erf);
	(erf) = vpow2.f32 v14  }
0xef: {  	v11 =	vadd.f32 $2.087675590e-09, v11;
	v6 =	vmul.f32 $-2.000000000e+00, v6;
	[tilespmem:$0x1FA10] =	vst v56;
	v56 =	vpop (erf);
	(erf) = vpow2.f32 v62  }
0xf0: {  	v10 =	vadd.f32 $4.166666790e-02, v10;
	v22 =	vmul.f32 $1.442695020e+00, v43;
	v54 =	vpop (erf);
	(erf) = vpow2.f32 v5  }
0xf1: {  	[tilespmem:$0x1F970] =	vst v50;
	v41 =	vmul.f32 v11, v1;
	v50 =	vpop (erf);
	(erf) = vpow2.f32 v21  }
0xf2: {  	[tilespmem:$0x1F950] =	vst v49;
	v10 =	vmul.f32 v10, v4;
	v49 =	vpop (erf);
	(erf) = vpow2.f32 v22  }
0xf3: {  	v36 =	vmul.f32 $1.442695020e+00, v47;
	v30 =	vpop (erf);
	(erf) = vpow2.f32 v24  }
0xf4: {  	v40 =	vadd.f32 $-2.000000000e+00, v27;
	v6 =	vmul.f32 $1.442695020e+00, v6;
	v29 =	vpop (erf);
	(erf) = vpow2.f32 v25  }
0xf5: {  	v44 =	vadd.f32 $-2.333333250e+00, v27;
	v9 =	vmul.f32 $-2.000000000e+00, v9;
	v33 =	vpop (erf);
	(erf) = vpow2.f32 v36  }
0xf6: {  	v10 =	vadd.f32 $-5.000000000e-01, v10;
	v34 =	vpop (erf);
	(erf) = vpow2.f32 v6;
	v6 =	vadd.f32 $-2.755732000e-07, v41  }
0xf7: {  	v47 =	vadd.f32 $-3.000000000e+00, v27;
	v43 =	vmul.f32 $1.442695020e+00, v9;
	v13 =	vmul.f32 v44, v44  }
0xf8: {  	[tilespmem:$0x1FA30] =	vst v58;
	v31 =	vmul.f32 v10, v4;
	v58 =	vadd.f32 $-3.333333250e+00, v27;
	v6 =	vmul.f32 v6, v1  }
0xf9: {  	v12 =	vmul.f32 v40, v40;
	v13 =	vmul.f32 $-2.000000000e+00, v13  }
0xfa: {  	[tilespmem:$0x1FA70] =	vst v61;
	v61 =	vmul.f32 v58, v58;
	v14 =	vmul.f32 v47, v47;
	v6 =	vadd.f32 $2.480158760e-05, v6  }
0xfb: {  	[tilespmem:$0x1F990] =	vst v51;
	v42 =	vmul.f32 $-2.000000000e+00, v12;
	v51 =	vmul.f32 $1.442695020e+00, v13;
	v62 =	vadd.f32 $-4.333333490e+00, v27  }
0xfc: {  	[tilespmem:$0x1F9B0] =	vst v52;
	v52 =	vmul.f32 $-2.000000000e+00, v14;
	v6 =	vmul.f32 v6, v1  }
0xfd: {  	[tilespmem:$0x1F9D0] =	vst v53;
	v11 =	vmul.f32 $1.442695020e+00, v42;
	v10 =	vmul.f32 v62, v62  }
0xfe: {  	[tilespmem:$0x1F9F0] =	vst v55;
	v55 =	vmul.f32 $1.442695020e+00, v52;
	v28 =	vpop (erf);
	(erf) = vpow2.f32 v43;
	v53 =	vadd.f32 $-1.388888920e-03, v6  }
0xff: {  	[tilespmem:$0x1FA50] =	vst v60;
	v60 =	vadd.f32 $-4.000000000e+00, v27;
	v26 =	vpop (erf);
	(erf) = vpow2.f32 v11;
	v11 =	vmul.f32 $-2.000000000e+00, v46  }
0x100: {  	v10 =	vmul.f32 $-2.000000000e+00, v10;
	v4 =	vmul.f32 v53, v1  }
0x101: {  	v59 =	vadd.f32 $-3.666666750e+00, v27;
	v36 =	vmul.f32 v60, v60;
	v11 =	vmul.f32 $1.442695020e+00, v11  }
0x102: {  	v10 =	vmul.f32 $1.442695020e+00, v10;
	v25 =	vpop (erf);
	(erf) = vpow2.f32 v51;
	v4 =	vadd.f32 $4.166666790e-02, v4  }
0x103: {  	v24 =	vpop (erf);
	v36 =	vmul.f32 $-2.000000000e+00, v36;
	(erf) = vpow2.f32 v11  }
0x104: {  	v11 =	vmul.f32 v59, v59;
	v4 =	vmul.f32 v4, v1  }
0x105: {  	[tilespmem:$0x1FAA0] =	vst v63;
	v63 =	vmul.f32 $1.442695020e+00, v36;
	v6 =	vmul.f32 $-2.000000000e+00, v61  }
0x106: {  	v23 =	vpop (erf);
	(erf) = vpow2.f32 v55;
	v11 =	vmul.f32 $-2.000000000e+00, v11;
	v4 =	vadd.f32 $-5.000000000e-01, v4  }
0x107: {  	v61 =	vadd.f32 $-4.333333490e+00, v8;
	v6 =	vmul.f32 $1.442695020e+00, v6;
	v53 =	vadd.f32 $-2.666666750e+00, v8  }
0x108: {  	v11 =	vmul.f32 $1.442695020e+00, v11;
	v42 =	vmul.f32 v4, v1;
	v1 =	vadd.f32 $-4.666666510e+00, v27  }
0x109: {  	[tilespmem:$0x1FAC0] =	vst v0;
	v0 =	vmul.f32 v61, v61;
	v53 =	vmul.f32 v53, v53  }
0x10a: {  	v22 =	vpop (erf);
	(erf) = vpow2.f32 v6;
	v1 =	vmul.f32 v1, v1  }
0x10b: {  	v45 =	vmul.f32 $-2.000000000e+00, v53;
	v53 =	vmul.f32 v2, v2  }
0x10c: {  	v9 =	vmul.f32 $-2.000000000e+00, v0;
	v1 =	vmul.f32 $-2.000000000e+00, v1  }
0x10d: {  	v32 =	vpop (erf);
	(erf) = vpow2.f32 v11;
	v5 =	vmul.f32 $-2.000000000e+00, v53  }
0x10e: {  	v53 =	vmul.f32 $1.442695020e+00, v1;
	v1 =	vmul.f32 $1.442695020e+00, v9  }
0x10f: {  	v14 =	vadd.f32 $-6.666666860e-01, v8;
	v36 =	vpop (erf);
	(erf) = vpow2.f32 v63;
	v63 =	vadd.f32 $-5.000000000e+00, v8  }
0x110: {  	v15 =	vadd.f32 $-1.000000000e+00, v8;
	v21 =	vpop (erf);
	(erf) = vpow2.f32 v10;
	[tilespmem:$0x1F8C0] =	vst v1;
	v1 =	vld [tilespmem:$0x1F8D0]  }
0x111: {  	v10 =	vmul.f32 v14, v14;
	v63 =	vmul.f32 v63, v63  }
0x112: {  	v11 =	vmul.f32 v15, v15  }
0x113: {  	v15 =	vmul.f32 $-2.000000000e+00, v10;
	v0 =	vmul.f32 $-2.000000000e+00, v63;
	_ =	sdelay $0x1  }
0x114: {  	v61 =	vmovc v39;
	v39 =	vmul.f32 $1.442695020e+00, v15;
	v0 =	vmul.f32 $1.442695020e+00, v0;
	v15 =	vadd.f32 $1.000000000e+00, v1;
	_ =	sdelay $0x1  }
0x115: {  	[tilespmem:$0x1F900] =	vst v0;
	v0 =	vmul.f32 $5.000000000e-01, v15;
	_ =	sdelay $0x1  }
0x116: {  	v0 =	vadd.f32 $5.000000000e-01, v0  }
0x117: {  	vm13 =	vlt.f32 v7, $5.000000000e+00  }
0x118: {  	v18 =	vmul.f32 $-2.000000000e+00, v11;
	v11 =	vadd.f32 $1.000000000e+00, v42;
	v42 =	vnsel vm13, $0x0, v0;
	v0 =	vld [tilespmem:$0x1F930];
	_ =	sdelay $0x4  }
0x119: {  	v0 =	vmul.f32 v42, v0;
	_ =	sdelay $0x1  }
0x11a: {  	[tilespmem:$0x1F940] =	vst v0;
	v0 =	vld [tilespmem:$0x1F950];
	_ =	sdelay $0x4  }
0x11b: {  	v0 =	vmul.f32 v42, v0;
	_ =	sdelay $0x1  }
0x11c: {  	[tilespmem:$0x1F960] =	vst v0;
	v0 =	vld [tilespmem:$0x1F970];
	_ =	sdelay $0x4  }
0x11d: {  	v0 =	vmul.f32 v42, v0;
	_ =	sdelay $0x1  }
0x11e: {  	v62 =	vadd.f32 $-4.666666510e+00, v8;
	[tilespmem:$0x1F980] =	vst v0;
	v0 =	vld [tilespmem:$0x1F990];
	_ =	sdelay $0x1  }
0x11f: {  	v62 =	vmul.f32 v62, v62;
	_ =	sdelay $0x1  }
0x120: {  	v16 =	vmul.f32 $-2.000000000e+00, v62  }
0x121: {  	v46 =	vmul.f32 v7, v7;
	v0 =	vmul.f32 v42, v0;
	_ =	sdelay $0x1  }
0x122: {  	v17 =	vmul.f32 $-2.000000000e+00, v46;
	v1 =	vmul.f32 $1.442695020e+00, v16;
	[tilespmem:$0x1F9A0] =	vst v0;
	v0 =	vld [tilespmem:$0x1F9B0];
	_ =	sdelay $0x1  }
0x123: {  	[tilespmem:$0x1F8E0] =	vst v1;
	v1 =	vmul.f32 $1.442695020e+00, v17  }
0x124: {  	v62 =	vmul.f32 v27, v27  }
0x125: {  	[tilespmem:$0x1F8F0] =	vst v1;
	v1 =	vmul.f32 $1.442695020e+00, v5  }
0x126: {  	v19 =	vmul.f32 $-2.000000000e+00, v62;
	v0 =	vmul.f32 v42, v0  }
0x127: {  	[tilespmem:$0x1F910] =	vst v1  }
0x128: {  	v1 =	vmul.f32 $1.442695020e+00, v19;
	[tilespmem:$0x1F9C0] =	vst v0;
	v0 =	vld [tilespmem:$0x1F9D0];
	_ =	sdelay $0x1  }
0x129: {  	[tilespmem:$0x1F920] =	vst v1;
	v1 =	vld [tilespmem:$0x1FA30];
	_ =	sdelay $0x2  }
0x12a: {  	v0 =	vmul.f32 v42, v0;
	_ =	sdelay $0x1  }
0x12b: {  	v1 =	vmul.f32 v42, v1;
	[tilespmem:$0x1F9E0] =	vst v0;
	v0 =	vld [tilespmem:$0x1F9F0];
	_ =	sdelay $0x1  }
0x12c: {  	[tilespmem:$0x1FA40] =	vst v1;
	v1 =	vld [tilespmem:$0x1FA50];
	_ =	sdelay $0x2  }
0x12d: {  	v0 =	vmul.f32 v42, v0;
	_ =	sdelay $0x1  }
0x12e: {  	v1 =	vmul.f32 v42, v1;
	[tilespmem:$0x1FA00] =	vst v0;
	v0 =	vld [tilespmem:$0x1FA10];
	_ =	sdelay $0x1  }
0x12f: {  	[tilespmem:$0x1FA60] =	vst v1;
	v1 =	vld [tilespmem:$0x1FA70]  }
0x130: {  	v35 =	vadd.f32 $1.000000000e+00, v35;
	_ =	sdelay $0x1  }
0x131: {  	v5 =	vmul.f32 $5.000000000e-01, v35;
	v0 =	vmul.f32 v42, v0;
	_ =	sdelay $0x1  }
0x132: {  	v1 =	vmul.f32 v42, v1;
	[tilespmem:$0x1FA20] =	vst v0;
	v0 =	vadd.f32 $5.000000000e-01, v5  }
0x133: {  	vm14 =	vlt.f32 v2, $5.000000000e+00  }
0x134: {  	[tilespmem:$0x1FA80] =	vst v1;
	v1 =	vmul.f32 v42, v38;
	v38 =	vnsel vm14, $0x0, v0;
	v0 =	vld [tilespmem:$0x1FAA0];
	_ =	sdelay $0x4  }
0x135: {  	v0 =	vmul.f32 v42, v0;
	_ =	sdelay $0x1  }
0x136: {  	[tilespmem:$0x1FAB0] =	vst v0;
	v0 =	vld [tilespmem:$0x1FAC0];
	_ =	sdelay $0x4  }
0x137: {  	v0 =	vmul.f32 v42, v0;
	_ =	sdelay $0x1  }
0x138: {  	[tilespmem:$0x1FAD0] =	vst v0;
	v0 =	vmul.f32 v42, v56;
	_ =	sdelay $0x1  }
0x139: {  	[tilespmem:$0x1FAE0] =	vst v0;
	v0 =	vmul.f32 v38, v54;
	_ =	sdelay $0x1  }
0x13a: {  	[tilespmem:$0x1FAF0] =	vst v0;
	v0 =	vmul.f32 v38, v50;
	_ =	sdelay $0x1  }
0x13b: {  	[tilespmem:$0x1FB00] =	vst v0;
	v0 =	vmul.f32 v38, v49  }
0x13c: {  	v51 =	vadd.f32 $-2.000000000e+00, v8  }
0x13d: {  	v58 =	vadd.f32 $-3.333333250e+00, v8;
	[tilespmem:$0x1FB10] =	vst v0;
	v0 =	vmul.f32 v38, v30  }
0x13e: {  	v51 =	vmul.f32 v51, v51  }
0x13f: {  	v58 =	vmul.f32 v58, v58;
	v13 =	vadd.f32 $-3.333333430e-01, v8;
	[tilespmem:$0x1FB20] =	vst v0;
	v0 =	vmul.f32 v38, v29  }
0x140: {  	v51 =	vmul.f32 $-2.000000000e+00, v51;
	v63 =	vmul.f32 v8, v8  }
0x141: {  	v6 =	vmul.f32 v13, v13;
	[tilespmem:$0x1FB30] =	vst v0;
	v0 =	vmul.f32 v38, v33  }
0x142: {  	v13 =	vmul.f32 $-2.000000000e+00, v58;
	v20 =	vmul.f32 $-2.000000000e+00, v63  }
0x143: {  	v63 =	vmul.f32 $1.442695020e+00, v51;
	v51 =	vadd.f32 $1.000000000e+00, v31;
	[tilespmem:$0x1FB40] =	vst v0;
	v0 =	vmul.f32 v38, v34  }
0x144: {  	v43 =	vmul.f32 $1.442695020e+00, v13  }
0x145: {  	v13 =	vmul.f32 $5.000000000e-01, v51;
	[tilespmem:$0x1FB50] =	vst v0;
	v0 =	vmul.f32 v38, v28;
	_ =	sdelay $0x1  }
0x146: {  	[tilespmem:$0x1FB60] =	vst v0;
	v0 =	vadd.f32 $5.000000000e-01, v13;
	_ =	sdelay $0x2  }
0x147: {  	vm15 =	vlt.f32 v27, $5.000000000e+00  }
0x148: {  	[tilespmem:$0x1FA90] =	vst v1;
	v1 =	vmul.f32 v38, v25;
	v19 =	vnsel vm15, $0x0, v0;
	v0 =	vpop (erf)  }
0x149: {  	v31 =	vmul.f32 v19, v0;
	v0 =	vpop (erf)  }
0x14a: {  	[tilespmem:$0x1FB70] =	vst v1;
	v1 =	vld [tilespmem:$0x1FBC0];
	v30 =	vmul.f32 v19, v0;
	v0 =	vor.u32 $0x3, v48  }
0x14b: {  	[tilespmem:$0x1FB80] =	vst v0;
	v0 =	vor.u32 $0x4, v48  }
0x14c: {  	[tilespmem:$0x1FB90] =	vst v0;
	v0 =	vor.u32 $0x5, v48  }
0x14d: {  	[tilespmem:$0x1FBA0] =	vst v0;
	v0 =	vor.u32 $0x6, v48  }
0x14e: {  	[tilespmem:$0x1FBB0] =	vst v0  }
0x14f: {  	[tilespmem:v57+s17+$0x0] =	vst.idx.msk $0xffff, v1;
	v1 =	vor.u32 $0x7, v48  }
0x150: {  	[tilespmem:$0x1FBD0] =	vst v1;
	v1 =	vor.u32 $0x8, v48  }
0x151: {  	[tilespmem:$0x1FBE0] =	vst v1;
	v1 =	vor.u32 $0x9, v48  }
0x152: {  	[tilespmem:$0x1FBF0] =	vst v1;
	v1 =	vld [tilespmem:$0x1FC00];
	_ =	sdelay $0x2  }
0x153: {  	v2 =	vld [tilespmem:$0x1FC10];
	_ =	sdelay $0x4  }
0x154: {  	[tilespmem:v1+s17+$0x0] =	vst.idx.msk $0xffff, v2;
	v1 =	vor.u32 $0xA, v48  }
0x155: {  	[tilespmem:$0x1FC20] =	vst v1;
	v1 =	vor.u32 $0xB, v48  }
0x156: {  	[tilespmem:$0x1FC30] =	vst v1;
	v1 =	vor.u32 $0xC, v48  }
0x157: {  	[tilespmem:$0x1FC40] =	vst v1;
	v1 =	vld [tilespmem:$0x1FC50];
	_ =	sdelay $0x2  }
0x158: {  	v2 =	vld [tilespmem:$0x1FC60];
	_ =	sdelay $0x4  }
0x159: {  	[tilespmem:v1+s17+$0x0] =	vst.idx.msk $0xffff, v2;
	v1 =	vor.u32 $0xD, v48  }
0x15a: {  	[tilespmem:$0x1FC70] =	vst v1;
	v1 =	vor.u32 $0xE, v48  }
0x15b: {  	[tilespmem:$0x1FC80] =	vst v1;
	v1 =	vor.u32 $0xF, v48  }
0x15c: {  	v0 =	vor.u32 $0x3, v57;
	[tilespmem:$0x1FCA0] =	vst v1;
	v1 =	vld [tilespmem:$0x1FCB0];
	_ =	sdelay $0x3  }
0x15d: {  	[tilespmem:$0x1FC90] =	vst v48  }
0x15e: {  	[tilespmem:v0+s17+$0x0] =	vst.idx.msk $0xffff, v1;
	v0 =	vor.u32 $0x3, v61  }
0x15f: {  	[tilespmem:$0x1FCC0] =	vst v0;
	v0 =	vor.u32 $0x4, v61  }
0x160: {  	[tilespmem:$0x1FCD0] =	vst v0;
	v0 =	vor.u32 $0x5, v61  }
0x161: {  	v5 =	vor.u32 $0x4, v57;
	[tilespmem:$0x1FCE0] =	vst v0;
	v0 =	vld [tilespmem:$0x1FCF0];
	_ =	sdelay $0x1  }
0x162: {  	v52 =	vadd.f32 $-2.333333250e+00, v8;
	_ =	sdelay $0x1  }
0x163: {  	v52 =	vmul.f32 v52, v52  }
0x164: {  	v41 =	vadd.f32 $-1.666666630e+00, v8;
	[tilespmem:v5+s17+$0x0] =	vst.idx.msk $0xffff, v0;
	v0 =	vor.u32 $0x6, v61  }
0x165: {  	v52 =	vmul.f32 $-2.000000000e+00, v52;
	[tilespmem:$0x1FD00] =	vst v0;
	v0 =	vor.u32 $0x7, v61  }
0x166: {  	v47 =	vmul.f32 v41, v41;
	[tilespmem:$0x1FD10] =	vst v0;
	v0 =	vor.u32 $0x8, v61  }
0x167: {  	v41 =	vmul.f32 $1.442695020e+00, v52;
	v52 =	vmul.f32 v38, v24;
	v24 =	vor.u32 $0x5, v57;
	[tilespmem:$0x1FD20] =	vst v0;
	v0 =	vld [tilespmem:$0x1FD30];
	_ =	sdelay $0x4  }
0x168: {  	[tilespmem:v24+s17+$0x0] =	vst.idx.msk $0xffff, v0;
	v0 =	vor.u32 $0x9, v61  }
0x169: {  	[tilespmem:$0x1FD40] =	vst v0;
	v0 =	vor.u32 $0xA, v61  }
0x16a: {  	[tilespmem:$0x1FD50] =	vst v0;
	v0 =	vor.u32 $0xB, v61  }
0x16b: {  	v25 =	vor.u32 $0x6, v57;
	[tilespmem:$0x1FD60] =	vst v0;
	v0 =	vld [tilespmem:$0x1FD70];
	_ =	sdelay $0x4  }
0x16c: {  	[tilespmem:v25+s17+$0x0] =	vst.idx.msk $0xffff, v0;
	v0 =	vor.u32 $0xC, v61  }
0x16d: {  	[tilespmem:$0x1FD80] =	vst v0;
	v0 =	vor.u32 $0xD, v61  }
0x16e: {  	[tilespmem:$0x1FD90] =	vst v0;
	v0 =	vor.u32 $0xE, v61  }
0x16f: {  	v56 =	vmul.f32 v38, v26;
	v26 =	vor.u32 $0x7, v57;
	[tilespmem:$0x1FDA0] =	vst v0;
	v0 =	vld [tilespmem:$0x1FDB0];
	_ =	sdelay $0x4  }
0x170: {  	[tilespmem:v26+s17+$0x0] =	vst.idx.msk $0xffff, v0;
	v0 =	vor.u32 $0xF, v61  }
0x171: {  	[tilespmem:$0x1FDC0] =	vst v0;
	v0 =	vor.u32 $0x3, v3  }
0x172: {  	[tilespmem:$0x1FDD0] =	vst v0;
	v0 =	vor.u32 $0x4, v3  }
0x173: {  	v12 =	vadd.f32 $-5.000000000e+00, v27;
	v27 =	vor.u32 $0x8, v57;
	[tilespmem:$0x1FDE0] =	vst v0;
	v0 =	vld [tilespmem:$0x1FDF0];
	_ =	sdelay $0x4  }
0x174: {  	[tilespmem:v27+s17+$0x0] =	vst.idx.msk $0xffff, v0;
	v0 =	vor.u32 $0x5, v3  }
0x175: {  	[tilespmem:$0x1FE00] =	vst v0;
	v0 =	vor.u32 $0x6, v3  }
0x176: {  	[tilespmem:$0x1FE10] =	vst v0;
	v0 =	vor.u32 $0x7, v3  }
0x177: {  	v35 =	vor.u32 $0x9, v57;
	[tilespmem:$0x1FE20] =	vst v0;
	v0 =	vld [tilespmem:$0x1FE30];
	_ =	sdelay $0x4  }
0x178: {  	[tilespmem:v35+s17+$0x0] =	vst.idx.msk $0xffff, v0;
	v0 =	vor.u32 $0x8, v3  }
0x179: {  	[tilespmem:$0x1FE40] =	vst v0;
	v0 =	vor.u32 $0x9, v3  }
0x17a: {  	[tilespmem:$0x1FE50] =	vst v0;
	v0 =	vor.u32 $0xA, v3  }
0x17b: {  	v33 =	vmul.f32 v38, v36;
	v36 =	vor.u32 $0xA, v57;
	[tilespmem:$0x1FE60] =	vst v0;
	v0 =	vld [tilespmem:$0x1FE70];
	_ =	sdelay $0x4  }
0x17c: {  	[tilespmem:v36+s17+$0x0] =	vst.idx.msk $0xffff, v0;
	v0 =	vor.u32 $0xB, v3  }
0x17d: {  	[tilespmem:$0x1FE80] =	vst v0;
	v0 =	vor.u32 $0xC, v3  }
0x17e: {  	[tilespmem:$0x1FE90] =	vst v0;
	v0 =	vor.u32 $0xD, v3  }
0x17f: {  	v60 =	vadd.f32 $-4.000000000e+00, v8;
	v16 =	vor.u32 $0xB, v57;
	[tilespmem:$0x1FEA0] =	vst v0;
	v0 =	vld [tilespmem:$0x1FEB0];
	_ =	sdelay $0x1  }
0x180: {  	v60 =	vmul.f32 v60, v60;
	_ =	sdelay $0x2  }
0x181: {  	[tilespmem:v16+s17+$0x0] =	vst.idx.msk $0xffff, v0;
	v0 =	vor.u32 $0xE, v3  }
0x182: {  	v4 =	vmul.f32 v12, v12;
	v12 =	vmul.f32 $-2.000000000e+00, v60;
	v60 =	vmovc v37;
	[tilespmem:$0x1FEC0] =	vst v0;
	v0 =	vor.u32 $0xF, v3  }
0x183: {  	[tilespmem:$0x1FEE0] =	vst v0;
	v0 =	vor.u32 $0x3, v60  }
0x184: {  	v17 =	vor.u32 $0xC, v57;
	[tilespmem:$0x1FEF0] =	vst v0;
	v0 =	vld [tilespmem:$0x1FF00];
	_ =	sdelay $0x3  }
0x185: {  	[tilespmem:$0x1FED0] =	vst v3  }
0x186: {  	[tilespmem:v17+s17+$0x0] =	vst.idx.msk $0xffff, v0;
	v0 =	vor.u32 $0x4, v60  }
0x187: {  	[tilespmem:$0x1FF10] =	vst v0;
	v0 =	vor.u32 $0x5, v60  }
0x188: {  	[tilespmem:$0x1FF20] =	vst v0;
	v0 =	vor.u32 $0x6, v60  }
0x189: {  	v58 =	vmul.f32 $1.442695020e+00, v18;
	v18 =	vor.u32 $0xD, v57;
	[tilespmem:$0x1FF30] =	vst v0;
	v0 =	vld [tilespmem:$0x1FF40]  }
0x18a: {  	v40 =	vadd.f32 $-1.333333370e+00, v8  }
0x18b: {  	v55 =	vadd.f32 $-3.000000000e+00, v8  }
0x18c: {  	v44 =	vmul.f32 v40, v40  }
0x18d: {  	v55 =	vmul.f32 v55, v55  }
0x18e: {  	v44 =	vmul.f32 $-2.000000000e+00, v44;
	[tilespmem:v18+s17+$0x0] =	vst.idx.msk $0xffff, v0;
	v0 =	vor.u32 $0x7, v60  }
0x18f: {  	v55 =	vmul.f32 $-2.000000000e+00, v55;
	[tilespmem:$0x1FF50] =	vst v0;
	v0 =	vor.u32 $0x8, v60  }
0x190: {  	v40 =	vmul.f32 $1.442695020e+00, v44;
	v44 =	vmul.f32 $1.442695020e+00, v45;
	[tilespmem:$0x1FF60] =	vst v0;
	v0 =	vor.u32 $0x9, v60  }
0x191: {  	v45 =	vmul.f32 $1.442695020e+00, v55;
	v55 =	vmul.f32 $1.442695020e+00, v20;
	v20 =	vor.u32 $0xE, v57;
	[tilespmem:$0x1FF70] =	vst v0;
	v0 =	vld [tilespmem:$0x1FF80];
	_ =	sdelay $0x3  }
0x192: {  	v59 =	vadd.f32 $-3.666666750e+00, v8  }
0x193: {  	[tilespmem:v20+s17+$0x0] =	vst.idx.msk $0xffff, v0;
	v0 =	vor.u32 $0xA, v60  }
0x194: {  	v59 =	vmul.f32 v59, v59;
	[tilespmem:$0x1FF90] =	vst v0;
	v0 =	vor.u32 $0xB, v60  }
0x195: {  	v47 =	vmul.f32 $-2.000000000e+00, v47;
	[tilespmem:$0x1FFA0] =	vst v0;
	v0 =	vor.u32 $0xC, v60  }
0x196: {  	v14 =	vmul.f32 $-2.000000000e+00, v59;
	v50 =	vor.u32 $0xF, v57;
	[tilespmem:$0x1FFB0] =	vst v0;
	v0 =	vld [tilespmem:$0x1FFC0]  }
0x197: {  	v62 =	vmul.f32 $1.442695020e+00, v47;
	v6 =	vmul.f32 $-2.000000000e+00, v6  }
0x198: {  	v47 =	vmul.f32 $1.442695020e+00, v14;
	v14 =	vmul.f32 $5.000000000e-01, v11  }
0x199: {  	vm1 =	vlt.f32 v8, $5.000000000e+00;
	v4 =	vmul.f32 $-2.000000000e+00, v4  }
0x19a: {  	v59 =	vmul.f32 $1.442695020e+00, v6;
	v46 =	vmul.f32 $1.442695020e+00, v12;
	v15 =	vadd.f32 $5.000000000e-01, v14  }
0x19b: {  	v37 =	vmul.f32 $1.442695020e+00, v4;
	v51 =	vmul.f32 v38, v22;
	v1 =	vor.u32 $0xD, v60;
	[tilespmem:v50+s17+$0x0] =	vst.idx.msk $0xffff, v0  }
0x19c: {  	v54 =	vmul.f32 v38, v23;
	v49 =	vnsel vm1, $0x0, v15;
	v34 =	vmul.f32 v38, v32;
	[tilespmem:$0x1FFD0] =	vst v1  }
0x19d: {  	s26 =	simm.s32 $0x90;
	s25 =	simm.s32 $0x0;
	v32 =	vmul.f32 v19, v21;
	v48 =	vor.u32 $0xE, v60;
	v0 =	vpop (erf);
	v50 =	vor.u32 $0xF, v60;
	[tilespmem:$0x1FFE0] =	vst v60  }
.LBB2_3:
0x19e: {  	v14 =	vpop (erf);
	(erf) = vpow2.f32 v53  }
0x19f: {  	v1 =	vld [tilespmem:$0x1FFF0];
	v15 =	vpop (erf)  }
0x1a0: {  	s29 =	sadd.s32 $0xFFFFFFE0, s26;
	v0 =	vmul.f32 v19, v0;
	v16 =	vpop (erf)  }
0x1a1: {  	s28 =	sadd.s32 $0xFFFFFFD0, s26;
	s30 =	sadd.s32 $0xFFFFFFF0, s26;
	v7 =	vmov s26;
	s31 =	sadd.s32 $0xFFFFFFC0, s26;
	v5 =	vmov s29;
	v20 =	vpop (erf)  }
0x1a2: {  	v8 =	vmov s30;
	v9 =	vmov s31;
	[tilespmem:$0x1F380] =	vst v0;
	v0 =	vmov s28;
	v21 =	vpop (erf)  }
0x1a3: {  	v8 =	vshll.u32 v8, $0x4;
	v9 =	vshll.u32 v9, $0x4;
	v11 =	vshll.u32 v5, $0x4;
	v22 =	vpop (erf)  }
0x1a4: {  	v0 =	vshll.u32 v0, $0x4;
	v27 =	vor.u32 v1, v8;
	v9 =	vor.u32 v1, v9;
	v25 =	vpop (erf)  }
0x1a5: {  	[tilespmem:$0x1F320] =	vst v54;
	v5 =	vor.u32 v1, v0;
	v0 =	vshll.u32 v7, $0x4;
	v2 =	vor.u32 $0x1, v27;
	v29 =	vpop (erf)  }
0x1a6: {  	[tilespmem:$0x1F7C0] =	vst v48;
	v8 =	vor.u32 v1, v11;
	v54 =	vor.u32 v1, v0;
	v1 =	vmul.f32 v19, v14;
	v48 =	vpop (erf)  }
0x1a7: {  	v36 =	vpop (erf);
	(erf) = vpow2.f32 v37  }
0x1a8: {  	[tilespmem:$0x1F390] =	vst v1;
	v1 =	vmul.f32 v19, v15;
	(erf) = vpow2.f32 v59  }
0x1a9: {  	[tilespmem:$0x1F7E0] =	vst v50;
	v3 =	vor.u32 $0x2, v27;
	(erf) = vpow2.f32 v39  }
0x1aa: {  	[tilespmem:$0x1F3A0] =	vst v1;
	v1 =	vmul.f32 v19, v16;
	v10 =	vld.idx.msk [tilespmem:v2+s17+$0x0], $0xffff;
	(erf) = vpow2.f32 v58  }
0x1ab: {  	v18 =	vor.u32 $0x1, v9;
	[tilespmem:$0x1F450] =	vst v2;
	v50 =	vld.idx.msk [tilespmem:v2+s18+$0x0], $0xffff;
	v2 =	vmul.f32 v19, v22;
	(erf) = vpow2.f32 v40  }
0x1ac: {  	[tilespmem:$0x1F3B0] =	vst v1;
	v1 =	vmul.f32 v19, v20;
	(erf) = vpow2.f32 v62  }
0x1ad: {  	[tilespmem:$0x1F3E0] =	vst v2;
	v2 =	vmul.f32 v19, v25;
	(erf) = vpow2.f32 v63  }
0x1ae: {  	v4 =	vld.idx.msk [tilespmem:v3+s17+$0x0], $0xffff;
	[tilespmem:$0x1F3C0] =	vst v1;
	v1 =	vmul.f32 v19, v21;
	(erf) = vpow2.f32 v41  }
0x1af: {  	v6 =	vld.idx.msk [tilespmem:v3+s18+$0x0], $0xffff;
	[tilespmem:$0x1F3F0] =	vst v2;
	v2 =	vmul.f32 v19, v29;
	(erf) = vpow2.f32 v44  }
0x1b0: {  	v53 =	vld.idx.msk [tilespmem:v18+s18+$0x0], $0xffff;
	[tilespmem:$0x1F3D0] =	vst v1;
	v29 =	vpop (erf)  }
0x1b1: {  	v1 =	vld.idx.msk [tilespmem:v18+s17+$0x0], $0xffff;
	[tilespmem:$0x1F400] =	vst v2;
	v2 =	vmul.f32 v19, v48;
	(erf) = vpow2.f32 v45;
	v45 =	vpop (erf)  }
0x1b2: {  	v48 =	vpop (erf)  }
0x1b3: {  	v7 =	vor.u32 $0x1, v5;
	[tilespmem:$0x1F410] =	vst v2;
	v2 =	vmul.f32 v19, v36;
	v39 =	vpop (erf)  }
0x1b4: {  	v40 =	vpop (erf)  }
0x1b5: {  	[tilespmem:$0x1F340] =	vst v33;
	v33 =	vld.idx.msk [tilespmem:v27+s17+$0x0], $0xffff;
	v4 =	vsub.f32 v6, v4;
	v6 =	vpop (erf)  }
0x1b6: {  	v11 =	vor.u32 $0x1, v8;
	v35 =	vld.idx.msk [tilespmem:v27+s18+$0x0], $0xffff;
	v1 =	vsub.f32 v53, v1;
	v53 =	vpop (erf)  }
0x1b7: {  	[tilespmem:$0x1F420] =	vst v2;
	v2 =	vpop (erf)  }
0x1b8: {  	v16 =	vld.idx.msk [tilespmem:v7+s17+$0x0], $0xffff;
	[tilespmem:$0x1F470] =	vst v2;
	v2 =	vpop (erf)  }
0x1b9: {  	[tilespmem:$0x1F480] =	vst v2;
	v2 =	vld [tilespmem:$0x1F8C0]  }
0x1ba: {  	v58 =	vld.idx.msk [tilespmem:v7+s18+$0x0], $0xffff  }
0x1bb: {  	v62 =	vld.idx.msk [tilespmem:v11+s17+$0x0], $0xffff;
	v59 =	vsub.f32 v35, v33;
	(erf) = vpow2.f32 v43  }
0x1bc: {  	v63 =	vld.idx.msk [tilespmem:v11+s18+$0x0], $0xffff;
	v10 =	vsub.f32 v50, v10;
	(erf) = vpow2.f32 v47  }
0x1bd: {  	v35 =	vld.idx.msk [tilespmem:v9+s17+$0x0], $0xffff;
	v44 =	vmul.f32 v59, v59;
	(erf) = vpow2.f32 v46  }
0x1be: {  	[tilespmem:$0x1F460] =	vst v3;
	v50 =	vld.idx.msk [tilespmem:v9+s18+$0x0], $0xffff;
	v10 =	vmul.f32 v10, v10;
	(erf) = vpow2.f32 v2;
	v2 =	vpop (erf)  }
0x1bf: {  	v0 =	vor.u32 $0x2, v5;
	[tilespmem:$0x1F490] =	vst v2;
	v2 =	vld [tilespmem:$0x1F8E0]  }
0x1c0: {  	v16 =	vsub.f32 v58, v16;
	v58 =	vld.idx.msk [tilespmem:v8+s17+$0x0], $0xffff;
	v4 =	vmul.f32 v4, v4;
	v3 =	vadd.f32 v10, v44  }
0x1c1: {  	v13 =	vmul.f32 v19, v29;
	v29 =	vld.idx.msk [tilespmem:v5+s18+$0x0], $0xffff  }
0x1c2: {  	v59 =	vmul.f32 v16, v16;
	v16 =	vld.idx.msk [tilespmem:v8+s18+$0x0], $0xffff;
	v4 =	vadd.f32 v4, v3  }
0x1c3: {  	v10 =	vld.idx.msk [tilespmem:v5+s17+$0x0], $0xffff  }
0x1c4: {  	[tilespmem:$0x1F310] =	vst v56;
	v17 =	vor.u32 $0x2, v9;
	v43 =	vld.idx.msk [tilespmem:v0+s17+$0x0], $0xffff;
	v4 =	vadd.f32 $9.999999960e-13, v4;
	(erf) = vpow2.f32 v2;
	v2 =	vpop (erf)  }
0x1c5: {  	v56 =	vor.u32 $0x1, v54;
	v33 =	vsub.f32 v63, v62;
	[tilespmem:$0x1F4A0] =	vst v2;
	v2 =	vld [tilespmem:$0x1F900]  }
0x1c6: {  	v35 =	vsub.f32 v50, v35;
	v50 =	vmovc v51;
	v51 =	vld.idx.msk [tilespmem:v54+s17+$0x0], $0xffff;
	v3 =	vmul.f32 v49, v45;
	v41 =	vmin.f32 v4, $1.000000000e+08  }
0x1c7: {  	v23 =	vmovc v49;
	v63 =	vmul.f32 v49, v48;
	v49 =	vld.idx.msk [tilespmem:v54+s18+$0x0], $0xffff;
	v62 =	vshra.s32 v41, $0x1;
	v37 =	vmul.f32 $5.000000000e-01, v41  }
0x1c8: {  	[tilespmem:$0x1F440] =	vst v3;
	v3 =	vld [tilespmem:$0x1F8F0];
	v36 =	vsub.s32 $0x5F3759DF, v62  }
0x1c9: {  	[tilespmem:$0x1F430] =	vst v13;
	v45 =	vld.idx.msk [tilespmem:v17+s17+$0x0], $0xffff;
	v13 =	vmul.f32 v36, v37  }
0x1ca: {  	v47 =	vld.idx.msk [tilespmem:v17+s18+$0x0], $0xffff;
	(erf) = vpow2.f32 v2;
	v2 =	vpop (erf)  }
0x1cb: {  	v12 =	vor.u32 $0x2, v8;
	v29 =	vsub.f32 v29, v10;
	[tilespmem:$0x1F4B0] =	vst v2;
	v2 =	vmul.f32 v36, v13;
	v13 =	vld [tilespmem:$0x1F910]  }
0x1cc: {  	v1 =	vmul.f32 v1, v1;
	v35 =	vmul.f32 v35, v35;
	v46 =	vld.idx.msk [tilespmem:v56+s17+$0x0], $0xffff  }
0x1cd: {  	v58 =	vsub.f32 v16, v58;
	v4 =	vld.idx.msk [tilespmem:v56+s18+$0x0], $0xffff;
	v29 =	vmul.f32 v29, v29;
	(erf) = vpow2.f32 v3  }
0x1ce: {  	[tilespmem:$0x1F330] =	vst v34;
	v57 =	vor.u32 $0x2, v54;
	v44 =	vld [tilespmem:$0x1FC90];
	v1 =	vadd.f32 v1, v35;
	v34 =	vsub.f32 v49, v51  }
0x1cf: {  	v33 =	vmul.f32 v33, v33;
	v45 =	vsub.f32 v47, v45;
	v29 =	vadd.f32 v59, v29;
	v3 =	vld.idx.msk [tilespmem:v0+s18+$0x0], $0xffff  }
0x1d0: {  	v35 =	vld.idx.msk [tilespmem:v12+s17+$0x0], $0xffff;
	v59 =	vmul.f32 v58, v58;
	v62 =	vpop (erf);
	v2 =	vsub.f32 $1.500000000e+00, v2;
	(erf) = vpow2.f32 v13  }
0x1d1: {  	v10 =	vmov v52;
	v52 =	vmul.f32 v34, v34;
	[tilespmem:$0x1F4C0] =	vst v62;
	v62 =	vmul.f32 v23, v39;
	v39 =	vld.idx.msk [tilespmem:v12+s18+$0x0], $0xffff  }
0x1d2: {  	v34 =	vmul.f32 v45, v45;
	v4 =	vsub.f32 v4, v46;
	v46 =	vld [tilespmem:$0x1F920];
	v36 =	vmul.f32 v36, v2  }
0x1d3: {  	v51 =	vpop (erf)  }
0x1d4: {  	[tilespmem:$0x1F350] =	vst v32;
	v33 =	vadd.f32 v33, v59;
	v58 =	vpop (erf);
	v43 =	vsub.f32 v3, v43;
	v59 =	vmul.f32 v36, v37  }
0x1d5: {  	[tilespmem:$0x1F360] =	vst v31;
	v1 =	vadd.f32 v34, v1;
	v3 =	vpop (erf)  }
0x1d6: {  	[tilespmem:$0x1F790] =	vst v58;
	v35 =	vsub.f32 v39, v35;
	v58 =	vmul.f32 v59, v36;
	v59 =	vmul.f32 v43, v43;
	v34 =	vpop (erf)  }
0x1d7: {  	[tilespmem:$0x1F370] =	vst v30;
	v2 =	vld.idx.msk [tilespmem:v57+s17+$0x0], $0xffff;
	(erf) = vpow2.f32 v46;
	v39 =	vmul.f32 v42, v34  }
0x1d8: {  	[tilespmem:$0x1F7B0] =	vst v3;
	v3 =	vmul.f32 v23, v6;
	v6 =	vadd.f32 v59, v29;
	v29 =	vmul.f32 v35, v35  }
0x1d9: {  	v13 =	vld.idx.msk [tilespmem:v57+s18+$0x0], $0xffff;
	(erf) = vpow2.f32 v55;
	v43 =	vpop (erf);
	[tilespmem:v44+s17+$0x0] =	vst.idx.msk $0xffff, v39  }
0x1da: {  	v42 =	vmul.f32 v23, v53;
	v53 =	vadd.f32 v29, v33;
	v29 =	vld [tilespmem:$0x1F840];
	_ =	sdelay $0x2  }
0x1db: {  	v55 =	vld [tilespmem:$0x1F940]  }
0x1dc: {  	v59 =	vld [tilespmem:$0x1F880]  }
0x1dd: {  	v1 =	vadd.f32 $9.999999960e-13, v1;
	_ =	sdelay $0x1  }
0x1de: {  	v34 =	vmin.f32 v1, $1.000000000e+08;
	v1 =	vld [tilespmem:$0x1F960]  }
0x1df: {  	[tilespmem:v29+s17+$0x0] =	vst.idx.msk $0xffff, v55;
	v29 =	vpop (erf)  }
0x1e0: {  	v2 =	vsub.f32 v13, v2;
	v13 =	vmul.f32 v38, v43;
	v43 =	vmul.f32 v19, v29;
	v19 =	vld [tilespmem:$0x1FB80];
	_ =	sdelay $0x2  }
0x1e1: {  	[tilespmem:v59+s17+$0x0] =	vst.idx.msk $0xffff, v1;
	v1 =	vld [tilespmem:$0x1F980]  }
0x1e2: {  	v4 =	vmul.f32 v4, v4  }
0x1e3: {  	v44 =	vld [tilespmem:$0x1FB90]  }
0x1e4: {  	v52 =	vadd.f32 v4, v52;
	v4 =	vsub.f32 $1.500000000e+00, v58  }
0x1e5: {  	v60 =	vor.u32 $0x3, v9  }
0x1e6: {  	v24 =	vor.u32 $0x4, v9;
	v35 =	vmul.f32 v4, v36;
	v2 =	vmul.f32 v2, v2;
	[tilespmem:v19+s17+$0x0] =	vst.idx.msk $0xffff, v1;
	v1 =	vld [tilespmem:$0x1F9A0]  }
0x1e7: {  	v28 =	vor.u32 $0x5, v9;
	v26 =	vor.u32 $0x6, v9;
	v4 =	vadd.f32 $9.999999960e-13, v6  }
0x1e8: {  	v58 =	vmul.f32 v35, v37;
	v6 =	vadd.f32 $9.999999960e-13, v53;
	v2 =	vadd.f32 v2, v52;
	v53 =	vld [tilespmem:$0x1FBA0]  }
0x1e9: {  	v31 =	vor.u32 $0x7, v9;
	v32 =	vor.u32 $0x8, v9;
	v30 =	vor.u32 $0x9, v9  }
0x1ea: {  	v14 =	vor.u32 $0xB, v9;
	v33 =	vmul.f32 v58, v35;
	v2 =	vadd.f32 $9.999999960e-13, v2;
	v58 =	vld [tilespmem:$0x1FBB0]  }
0x1eb: {  	v15 =	vor.u32 $0xD, v9;
	v22 =	vor.u32 $0xC, v9;
	v20 =	vor.u32 $0xA, v9;
	[tilespmem:v44+s17+$0x0] =	vst.idx.msk $0xffff, v1;
	v1 =	vld [tilespmem:$0x1F9C0]  }
0x1ec: {  	v25 =	vor.u32 $0xF, v9;
	v21 =	vor.u32 $0xE, v9;
	v19 =	vmovc v9;
	v9 =	vmin.f32 v2, $1.000000000e+08;
	v2 =	vld [tilespmem:$0x1FBD0];
	_ =	sdelay $0x1  }
0x1ed: {  	v47 =	vmul.f32 v23, v40;
	v40 =	vshra.s32 v34, $0x1;
	v55 =	vmovc v17;
	v17 =	vmov v60;
	v59 =	vld [tilespmem:$0x1F9E0]  }
0x1ee: {  	v36 =	vsub.s32 $0x5F3759DF, v40;
	v40 =	vld [tilespmem:$0x1FA00];
	v6 =	vmin.f32 v6, $1.000000000e+08;
	[tilespmem:$0x1FB80] =	vst v17  }
0x1ef: {  	v39 =	vmov v28;
	v17 =	vshra.s32 v6, $0x1;
	[tilespmem:v53+s17+$0x0] =	vst.idx.msk $0xffff, v1;
	v53 =	vld [tilespmem:$0x1FBE0]  }
0x1f0: {  	[tilespmem:$0x1FBA0] =	vst v39;
	v39 =	vsub.s32 $0x5F3759DF, v17;
	v17 =	vld [tilespmem:$0x1FBF0]  }
0x1f1: {  	v4 =	vmin.f32 v4, $1.000000000e+08  }
0x1f2: {  	v52 =	vmov v18;
	v18 =	vshra.s32 v4, $0x1;
	v28 =	vld [tilespmem:$0x1FA20];
	[tilespmem:v58+s17+$0x0] =	vst.idx.msk $0xffff, v59  }
0x1f3: {  	[tilespmem:v2+s17+$0x0] =	vst.idx.msk $0xffff, v40;
	v40 =	vsub.s32 $0x5F3759DF, v18;
	v18 =	vld [tilespmem:$0x1FA40];
	_ =	sdelay $0x1  }
0x1f4: {  	v33 =	vsub.f32 $1.500000000e+00, v33;
	v2 =	vmov v31  }
0x1f5: {  	[tilespmem:$0x1FBD0] =	vst v2  }
0x1f6: {  	v2 =	vmul.f32 v33, v35;
	[tilespmem:v53+s17+$0x0] =	vst.idx.msk $0xffff, v28  }
0x1f7: {  	[tilespmem:v17+s17+$0x0] =	vst.idx.msk $0xffff, v18;
	v17 =	vmov v30  }
0x1f8: {  	[tilespmem:$0x1FBF0] =	vst v17;
	v17 =	vmul.f32 v2, v41;
	v2 =	vld [tilespmem:$0x1FC20]  }
0x1f9: {  	v28 =	vld [tilespmem:$0x1FC30];
	_ =	sdelay $0x1  }
0x1fa: {  	v58 =	vld [tilespmem:$0x1FA60]  }
0x1fb: {  	v30 =	vld [tilespmem:$0x1FA80];
	_ =	sdelay $0x3  }
0x1fc: {  	[tilespmem:v2+s17+$0x0] =	vst.idx.msk $0xffff, v58  }
0x1fd: {  	[tilespmem:v28+s17+$0x0] =	vst.idx.msk $0xffff, v30;
	v30 =	vld [tilespmem:$0x1FC40]  }
0x1fe: {  	[tilespmem:$0x1FC90] =	vst v19;
	v19 =	vmul.f32 $5.000000000e-01, v34  }
0x1ff: {  	[tilespmem:$0x1F840] =	vst v52;
	v52 =	vshra.s32 v9, $0x1  }
0x200: {  	v35 =	vsub.s32 $0x5F3759DF, v52;
	v52 =	vld [tilespmem:$0x1FA90];
	v18 =	vmul.f32 v36, v19;
	_ =	sdelay $0x1  }
0x201: {  	v53 =	vmul.f32 v36, v18;
	v18 =	vld [tilespmem:$0x1FC70];
	_ =	sdelay $0x2  }
0x202: {  	[tilespmem:v30+s17+$0x0] =	vst.idx.msk $0xffff, v52;
	v30 =	vmov v20;
	v20 =	vld [tilespmem:$0x1FAB0];
	_ =	sdelay $0x2  }
0x203: {  	[tilespmem:$0x1F880] =	vst v55;
	v55 =	vmov v32;
	v59 =	vmul.f32 $6.283185480e-01, v17  }
0x204: {  	v37 =	vmul.f32 $5.000000000e-01, v9;
	[tilespmem:$0x1FBE0] =	vst v55;
	v55 =	vld [tilespmem:$0x1FC80]  }
0x205: {  	v60 =	vmov v24;
	[tilespmem:v18+s17+$0x0] =	vst.idx.msk $0xffff, v20;
	v18 =	vmul.f32 v59, v59;
	v59 =	vld [tilespmem:$0x1FCA0]  }
0x206: {  	[tilespmem:$0x1FB90] =	vst v60;
	v60 =	vmul.f32 v35, v37  }
0x207: {  	v58 =	vld [tilespmem:$0x1FAD0]  }
0x208: {  	v33 =	vmul.f32 v35, v60;
	v60 =	vld [tilespmem:$0x1FAE0];
	_ =	sdelay $0x3  }
0x209: {  	[tilespmem:v55+s17+$0x0] =	vst.idx.msk $0xffff, v58  }
0x20a: {  	v55 =	vmov v14;
	[tilespmem:v59+s17+$0x0] =	vst.idx.msk $0xffff, v60;
	v60 =	vld [tilespmem:$0x1F850]  }
0x20b: {  	v44 =	vmov v26;
	v58 =	vmul.f32 $4.779477260e-14, v18  }
0x20c: {  	[tilespmem:$0x1FBB0] =	vst v44;
	v44 =	vld [tilespmem:$0x1FAF0]  }
0x20d: {  	[tilespmem:$0x1FC30] =	vst v55;
	v55 =	vmov v7;
	v7 =	vadd.f32 $-1.147074540e-11, v58;
	v58 =	vld [tilespmem:$0x1F890];
	_ =	sdelay $0x1  }
0x20e: {  	v59 =	vmov v22  }
0x20f: {  	[tilespmem:$0x1FC40] =	vst v59;
	v59 =	vld [tilespmem:$0x1FB00]  }
0x210: {  	[tilespmem:v61+s17+$0x0] =	vst.idx.msk $0xffff, v13  }
0x211: {  	[tilespmem:v60+s17+$0x0] =	vst.idx.msk $0xffff, v44;
	v60 =	vld [tilespmem:$0x1FCC0];
	_ =	sdelay $0x2  }
0x212: {  	[tilespmem:v58+s17+$0x0] =	vst.idx.msk $0xffff, v59;
	v58 =	vld [tilespmem:$0x1FB10];
	_ =	sdelay $0x1  }
0x213: {  	v44 =	vld [tilespmem:$0x1FCD0];
	_ =	sdelay $0x2  }
0x214: {  	[tilespmem:v60+s17+$0x0] =	vst.idx.msk $0xffff, v58;
	v60 =	vld [tilespmem:$0x1FB20];
	_ =	sdelay $0x4  }
0x215: {  	[tilespmem:v44+s17+$0x0] =	vst.idx.msk $0xffff, v60;
	v44 =	vld [tilespmem:$0x1FCE0];
	_ =	sdelay $0x2  }
0x216: {  	v60 =	vld [tilespmem:$0x1FB30];
	_ =	sdelay $0x2  }
0x217: {  	v59 =	vmov v15  }
0x218: {  	v58 =	vld [tilespmem:$0x1FD00]  }
0x219: {  	[tilespmem:v44+s17+$0x0] =	vst.idx.msk $0xffff, v60;
	v44 =	vld [tilespmem:$0x1FD10]  }
0x21a: {  	[tilespmem:$0x1FC70] =	vst v59;
	v59 =	vmov v21  }
0x21b: {  	[tilespmem:$0x1FC80] =	vst v59;
	v59 =	vld [tilespmem:$0x1FB40];
	v60 =	vmov v25  }
0x21c: {  	[tilespmem:$0x1FCA0] =	vst v60;
	v60 =	vld [tilespmem:$0x1FB50];
	_ =	sdelay $0x3  }
0x21d: {  	[tilespmem:v58+s17+$0x0] =	vst.idx.msk $0xffff, v59  }
0x21e: {  	[tilespmem:v44+s17+$0x0] =	vst.idx.msk $0xffff, v60;
	v44 =	vld [tilespmem:$0x1FD20];
	_ =	sdelay $0x2  }
0x21f: {  	v60 =	vld [tilespmem:$0x1FB60];
	_ =	sdelay $0x4  }
0x220: {  	[tilespmem:v44+s17+$0x0] =	vst.idx.msk $0xffff, v60;
	v44 =	vld [tilespmem:$0x1FD40];
	_ =	sdelay $0x2  }
0x221: {  	v60 =	vld [tilespmem:$0x1F310];
	_ =	sdelay $0x4  }
0x222: {  	[tilespmem:v44+s17+$0x0] =	vst.idx.msk $0xffff, v60;
	v44 =	vld [tilespmem:$0x1FD50];
	_ =	sdelay $0x2  }
0x223: {  	v60 =	vld [tilespmem:$0x1FB70];
	_ =	sdelay $0x4  }
0x224: {  	[tilespmem:v44+s17+$0x0] =	vst.idx.msk $0xffff, v60;
	v44 =	vld [tilespmem:$0x1FD60];
	_ =	sdelay $0x7  }
0x225: {  	[tilespmem:v44+s17+$0x0] =	vst.idx.msk $0xffff, v10;
	v44 =	vld [tilespmem:$0x1FD80];
	_ =	sdelay $0x2  }
0x226: {  	v10 =	vld [tilespmem:$0x1F320];
	_ =	sdelay $0x4  }
0x227: {  	[tilespmem:v44+s17+$0x0] =	vst.idx.msk $0xffff, v10;
	v10 =	vld [tilespmem:$0x1FD90];
	_ =	sdelay $0x4  }
0x228: {  	v44 =	vld [tilespmem:$0x1FDA0];
	_ =	sdelay $0x2  }
0x229: {  	v32 =	vsub.f32 $1.500000000e+00, v53;
	[tilespmem:v10+s17+$0x0] =	vst.idx.msk $0xffff, v50;
	v50 =	vld [tilespmem:$0x1F330]  }
0x22a: {  	v53 =	vadd.f32 $-1.000000000e+00, v17;
	v52 =	vadd.f32 $-6.666666860e-01, v17;
	_ =	sdelay $0x1  }
0x22b: {  	v25 =	vmul.f32 v52, v52;
	v52 =	vmul.f32 v53, v53  }
0x22c: {  	v16 =	vor.u32 $0x4, v5  }
0x22d: {  	[tilespmem:v44+s17+$0x0] =	vst.idx.msk $0xffff, v50;
	v50 =	vmov v16;
	v16 =	vmul.f32 $-2.000000000e+00, v25;
	v25 =	vmul.f32 $-2.000000000e+00, v52;
	v52 =	vld [tilespmem:$0x1FDC0];
	_ =	sdelay $0x1  }
0x22e: {  	v48 =	vor.u32 $0x3, v5  }
0x22f: {  	v10 =	vmov v48;
	v48 =	vld [tilespmem:$0x1F340];
	_ =	sdelay $0x3  }
0x230: {  	v46 =	vor.u32 $0x6, v5  }
0x231: {  	v49 =	vor.u32 $0x5, v5;
	[tilespmem:v52+s17+$0x0] =	vst.idx.msk $0xffff, v48;
	v52 =	vmov v46;
	v46 =	vld [tilespmem:$0x1FED0]  }
0x232: {  	[tilespmem:$0x1FCD0] =	vst v50;
	v50 =	vmov v49;
	v49 =	vld [tilespmem:$0x1F860];
	_ =	sdelay $0x1  }
0x233: {  	v45 =	vor.u32 $0x7, v5;
	v24 =	vor.u32 $0x9, v5;
	v29 =	vpop (erf);
	[tilespmem:$0x1FC20] =	vst v30  }
0x234: {  	v61 =	vmovc v5;
	v26 =	vor.u32 $0x8, v5;
	v28 =	vor.u32 $0xA, v5;
	v14 =	vmul.f32 v23, v29;
	v29 =	vmovc v0;
	[tilespmem:$0x1FCE0] =	vst v50;
	v50 =	vld [tilespmem:$0x1F350]  }
0x235: {  	v30 =	vor.u32 $0xB, v5;
	v20 =	vor.u32 $0xC, v5;
	[tilespmem:$0x1F890] =	vst v29;
	v44 =	vor.u32 $0xD, v61  }
0x236: {  	v5 =	vmul.f32 v36, v32;
	v36 =	vadd.f32 $-2.666666750e+00, v17;
	v29 =	vadd.f32 $-2.333333250e+00, v17;
	[tilespmem:$0x1FD90] =	vst v44;
	v44 =	vld [tilespmem:$0x1F8A0]  }
0x237: {  	[tilespmem:$0x1F780] =	vst v61;
	v7 =	vmul.f32 v7, v18  }
0x238: {  	v36 =	vmul.f32 v36, v36;
	v29 =	vmul.f32 v29, v29;
	[tilespmem:v46+s17+$0x0] =	vst.idx.msk $0xffff, v43;
	v43 =	vmov v45;
	v45 =	vld [tilespmem:$0x1F360]  }
0x239: {  	v7 =	vadd.f32 $2.087675590e-09, v7;
	[tilespmem:v49+s17+$0x0] =	vst.idx.msk $0xffff, v50;
	v50 =	vld [tilespmem:$0x1FDD0]  }
0x23a: {  	[tilespmem:$0x1FD00] =	vst v52;
	v52 =	vmov v11;
	v11 =	vmul.f32 $-2.000000000e+00, v29;
	v29 =	vmul.f32 $-2.000000000e+00, v36;
	v36 =	vld [tilespmem:$0x1FDE0]  }
0x23b: {  	[tilespmem:$0x1F850] =	vst v55;
	v7 =	vmul.f32 v7, v18;
	v48 =	vor.u32 $0xE, v61;
	v49 =	vor.u32 $0xF, v61;
	v61 =	vmovc v28;
	v28 =	vld [tilespmem:$0x1FE00]  }
0x23c: {  	v55 =	vadd.f32 $-3.333333250e+00, v17;
	[tilespmem:$0x1F860] =	vst v52;
	v52 =	vld [tilespmem:$0x1F370]  }
0x23d: {  	v7 =	vadd.f32 $-2.755732000e-07, v7;
	v15 =	vadd.f32 $-3.000000000e+00, v17;
	[tilespmem:$0x1FD10] =	vst v43;
	v43 =	vld [tilespmem:$0x1F380]  }
0x23e: {  	v55 =	vmul.f32 v55, v55;
	v53 =	vadd.f32 $-4.000000000e+00, v17;
	[tilespmem:v44+s17+$0x0] =	vst.idx.msk $0xffff, v45;
	v44 =	vmov v30;
	v30 =	vld [tilespmem:$0x1F390]  }
0x23f: {  	v7 =	vmul.f32 v7, v18;
	v15 =	vmul.f32 v15, v15;
	[tilespmem:$0x1FDA0] =	vst v48;
	v48 =	vmov v26  }
0x240: {  	v53 =	vmul.f32 v53, v53;
	[tilespmem:$0x1FD20] =	vst v48  }
0x241: {  	v7 =	vadd.f32 $2.480158760e-05, v7;
	v48 =	vld [tilespmem:$0x1FE20];
	v46 =	vmov v12;
	v12 =	vmul.f32 $-2.000000000e+00, v15;
	[tilespmem:v50+s17+$0x0] =	vst.idx.msk $0xffff, v52  }
0x242: {  	v15 =	vmul.f32 $-2.000000000e+00, v55;
	v55 =	vmov v24;
	v24 =	vmul.f32 $-2.000000000e+00, v53;
	v53 =	vld [tilespmem:$0x1F3C0];
	[tilespmem:v36+s17+$0x0] =	vst.idx.msk $0xffff, v43  }
0x243: {  	v7 =	vmul.f32 v7, v18;
	v59 =	vadd.f32 $-4.666666510e+00, v17;
	[tilespmem:v28+s17+$0x0] =	vst.idx.msk $0xffff, v30;
	v30 =	vld [tilespmem:$0x1FE10]  }
0x244: {  	[tilespmem:$0x1F8A0] =	vst v46;
	v46 =	vld [tilespmem:$0x1F3A0]  }
0x245: {  	v7 =	vadd.f32 $-1.388888920e-03, v7;
	v59 =	vmul.f32 v59, v59;
	[tilespmem:$0x1FDC0] =	vst v49;
	v49 =	vld [tilespmem:$0x1F3B0]  }
0x246: {  	v60 =	vadd.f32 $-5.000000000e+00, v17;
	v52 =	vld [tilespmem:$0x1FE40]  }
0x247: {  	v7 =	vmul.f32 v7, v18;
	[tilespmem:$0x1FCC0] =	vst v10;
	v28 =	vmov v20;
	v20 =	vmul.f32 $-2.000000000e+00, v59;
	v59 =	vld [tilespmem:$0x1FE50]  }
0x248: {  	v60 =	vmul.f32 v60, v60;
	[tilespmem:$0x1FD50] =	vst v61;
	v61 =	vld [tilespmem:$0x1FE60]  }
0x249: {  	v7 =	vadd.f32 $4.166666790e-02, v7;
	[tilespmem:$0x1FD60] =	vst v44;
	v43 =	vmul.f32 $1.442695020e+00, v29;
	v29 =	vld [tilespmem:$0x1FE80]  }
0x24a: {  	v10 =	vsub.f32 $1.500000000e+00, v33;
	v33 =	vmov v8;
	[tilespmem:$0x1FD80] =	vst v28;
	v28 =	vmul.f32 $-2.000000000e+00, v60;
	v60 =	vld [tilespmem:$0x1F3D0]  }
0x24b: {  	v7 =	vmul.f32 v7, v18;
	v36 =	vld [tilespmem:$0x1F3E0];
	[tilespmem:v30+s17+$0x0] =	vst.idx.msk $0xffff, v46;
	v30 =	vor.u32 $0x5, v33  }
0x24c: {  	v41 =	vadd.f32 $-3.333333430e-01, v17;
	v44 =	vld [tilespmem:$0x1F3F0];
	[tilespmem:$0x1FE00] =	vst v30  }
0x24d: {  	v0 =	vmul.f32 v17, v17;
	v7 =	vadd.f32 $-5.000000000e-01, v7;
	[tilespmem:v48+s17+$0x0] =	vst.idx.msk $0xffff, v49  }
0x24e: {  	v41 =	vmul.f32 v41, v41;
	[tilespmem:v52+s17+$0x0] =	vst.idx.msk $0xffff, v53  }
0x24f: {  	v21 =	vmul.f32 $-2.000000000e+00, v0;
	v7 =	vmul.f32 v7, v18;
	v18 =	vld [tilespmem:$0x1FE90];
	[tilespmem:v59+s17+$0x0] =	vst.idx.msk $0xffff, v60  }
0x250: {  	v41 =	vmul.f32 $-2.000000000e+00, v41;
	[tilespmem:v61+s17+$0x0] =	vst.idx.msk $0xffff, v36  }
0x251: {  	v21 =	vmul.f32 $1.442695020e+00, v21;
	[tilespmem:v29+s17+$0x0] =	vst.idx.msk $0xffff, v44;
	v29 =	vor.u32 $0x9, v33  }
0x252: {  	v30 =	vmul.f32 $1.442695020e+00, v41;
	[tilespmem:$0x1FE50] =	vst v29;
	v29 =	vld [tilespmem:$0x1F400]  }
0x253: {  	(erf) = vpow2.f32 v21;
	v16 =	vmul.f32 $1.442695020e+00, v16  }
0x254: {  	(erf) = vpow2.f32 v30  }
0x255: {  	(erf) = vpow2.f32 v16;
	v16 =	vld [tilespmem:$0x1FEA0];
	_ =	sdelay $0x1  }
0x256: {  	[tilespmem:v18+s17+$0x0] =	vst.idx.msk $0xffff, v29;
	v18 =	vor.u32 $0xA, v33  }
0x257: {  	[tilespmem:$0x1FE60] =	vst v18;
	v18 =	vld [tilespmem:$0x1F410];
	_ =	sdelay $0x4  }
0x258: {  	[tilespmem:v16+s17+$0x0] =	vst.idx.msk $0xffff, v18;
	v16 =	vld [tilespmem:$0x1FEC0];
	_ =	sdelay $0x2  }
0x259: {  	v18 =	vld [tilespmem:$0x1F420];
	_ =	sdelay $0x1  }
0x25a: {  	v45 =	vor.u32 $0x4, v33  }
0x25b: {  	[tilespmem:$0x1FDE0] =	vst v45;
	v45 =	vld [tilespmem:$0x1FEE0];
	_ =	sdelay $0x1  }
0x25c: {  	[tilespmem:v16+s17+$0x0] =	vst.idx.msk $0xffff, v18;
	v16 =	vor.u32 $0xB, v33  }
0x25d: {  	[tilespmem:$0x1FE80] =	vst v16;
	v16 =	vld [tilespmem:$0x1F430];
	_ =	sdelay $0x1  }
0x25e: {  	v48 =	vld [tilespmem:$0x1FFE0]  }
0x25f: {  	v52 =	vld [tilespmem:$0x1F870];
	_ =	sdelay $0x1  }
0x260: {  	[tilespmem:v45+s17+$0x0] =	vst.idx.msk $0xffff, v16;
	v16 =	vor.u32 $0xC, v33  }
0x261: {  	[tilespmem:$0x1FE90] =	vst v16;
	v16 =	vld [tilespmem:$0x1F440];
	_ =	sdelay $0x1  }
0x262: {  	v13 =	vadd.f32 $-1.333333370e+00, v17;
	[tilespmem:$0x1FD40] =	vst v55;
	v55 =	vor.u32 $0x7, v33  }
0x263: {  	[tilespmem:$0x1FE20] =	vst v55  }
0x264: {  	v13 =	vmul.f32 v13, v13;
	v55 =	vld [tilespmem:$0x1F8B0];
	[tilespmem:v48+s17+$0x0] =	vst.idx.msk $0xffff, v14  }
0x265: {  	[tilespmem:v52+s17+$0x0] =	vst.idx.msk $0xffff, v16;
	v16 =	vld [tilespmem:$0x1FEF0]  }
0x266: {  	v13 =	vmul.f32 $-2.000000000e+00, v13;
	v58 =	vadd.f32 $-4.333333490e+00, v17  }
0x267: {  	v32 =	vadd.f32 $-2.000000000e+00, v17;
	v22 =	vadd.f32 $-1.666666630e+00, v17  }
0x268: {  	v13 =	vmul.f32 $1.442695020e+00, v13;
	v58 =	vmul.f32 v58, v58  }
0x269: {  	v32 =	vmul.f32 v32, v32;
	v22 =	vmul.f32 v22, v22;
	v0 =	vadd.f32 $-3.666666750e+00, v17  }
0x26a: {  	v26 =	vmul.f32 $-2.000000000e+00, v58;
	v58 =	vmul.f32 $1.442695020e+00, v25  }
0x26b: {  	v0 =	vmul.f32 v0, v0;
	v8 =	vmul.f32 $-2.000000000e+00, v22  }
0x26c: {  	v22 =	vmul.f32 $-2.000000000e+00, v32;
	(erf) = vpow2.f32 v58;
	v58 =	vld [tilespmem:$0x1FF10];
	[tilespmem:v55+s17+$0x0] =	vst.idx.msk $0xffff, v63  }
0x26d: {  	v0 =	vmul.f32 $-2.000000000e+00, v0;
	v8 =	vmul.f32 $1.442695020e+00, v8;
	[tilespmem:v16+s17+$0x0] =	vst.idx.msk $0xffff, v62;
	v62 =	vld [tilespmem:$0x1FF20]  }
0x26e: {  	v7 =	vadd.f32 $1.000000000e+00, v7;
	v22 =	vmul.f32 $1.442695020e+00, v22;
	(erf) = vpow2.f32 v13  }
0x26f: {  	v11 =	vmul.f32 $1.442695020e+00, v11;
	v46 =	vpop (erf);
	(erf) = vpow2.f32 v8  }
0x270: {  	v7 =	vmul.f32 $5.000000000e-01, v7;
	(erf) = vpow2.f32 v22  }
0x271: {  	v12 =	vmul.f32 $1.442695020e+00, v12;
	(erf) = vpow2.f32 v11  }
0x272: {  	v7 =	vadd.f32 $5.000000000e-01, v7;
	v15 =	vmul.f32 $1.442695020e+00, v15;
	(erf) = vpow2.f32 v43  }
0x273: {  	vm0 =	vlt.f32 v17, $5.000000000e+00;
	v0 =	vmul.f32 $1.442695020e+00, v0;
	(erf) = vpow2.f32 v12  }
0x274: {  	v7 =	vnsel vm0, $0x0, v7;
	v17 =	vpop (erf);
	(erf) = vpow2.f32 v15;
	[tilespmem:v58+s17+$0x0] =	vst.idx.msk $0xffff, v47  }
0x275: {  	v32 =	vor.u32 $0x3, v33;
	[tilespmem:v62+s17+$0x0] =	vst.idx.msk $0xffff, v3;
	v3 =	vmul.f32 v7, v17;
	v17 =	vpop (erf);
	(erf) = vpow2.f32 v0;
	v0 =	vld [tilespmem:$0x1FF30]  }
0x276: {  	[tilespmem:$0x1FDD0] =	vst v32;
	v50 =	vor.u32 $0x6, v33;
	v22 =	vld [tilespmem:$0x1F450]  }
0x277: {  	v25 =	vld [tilespmem:$0x1F460];
	[tilespmem:$0x1FE10] =	vst v50;
	v41 =	vor.u32 $0x8, v33  }
0x278: {  	[tilespmem:$0x1FE40] =	vst v41;
	v53 =	vmov v56  }
0x279: {  	v56 =	vmov v57;
	[tilespmem:$0x1F870] =	vst v53  }
0x27a: {  	v49 =	vor.u32 $0xD, v33;
	[tilespmem:$0x1F8B0] =	vst v56;
	v59 =	vmul.f32 v7, v46  }
0x27b: {  	v50 =	vmul.f32 $1.442695020e+00, v24;
	v57 =	vmul.f32 $1.442695020e+00, v20;
	v60 =	vor.u32 $0x3, v27;
	[tilespmem:$0x1FEA0] =	vst v49  }
0x27c: {  	v61 =	vmovc v54;
	v54 =	vmul.f32 $1.442695020e+00, v26;
	[tilespmem:v27+s17+$0x0] =	vst.idx.msk $0xffff, v59;
	v63 =	vor.u32 $0x4, v27;
	v16 =	vmul.f32 $1.442695020e+00, v28  }
0x27d: {  	v21 =	vor.u32 $0x5, v27;
	[tilespmem:v0+s17+$0x0] =	vst.idx.msk $0xffff, v42;
	v0 =	vmul.f32 v7, v17;
	v17 =	vpop (erf);
	(erf) = vpow2.f32 v50  }
0x27e: {  	v24 =	vor.u32 $0x6, v27;
	[tilespmem:v22+s17+$0x0] =	vst.idx.msk $0xffff, v3;
	v3 =	vmul.f32 v7, v17;
	v17 =	vpop (erf);
	(erf) = vpow2.f32 v54  }
0x27f: {  	v26 =	vor.u32 $0x7, v27;
	[tilespmem:v25+s17+$0x0] =	vst.idx.msk $0xffff, v0;
	v0 =	vmul.f32 v7, v17;
	v17 =	vpop (erf);
	(erf) = vpow2.f32 v57  }
0x280: {  	v32 =	vor.u32 $0x8, v27;
	[tilespmem:v60+s17+$0x0] =	vst.idx.msk $0xffff, v3;
	v3 =	vmul.f32 v7, v17;
	v36 =	vpop (erf);
	(erf) = vpow2.f32 v16  }
0x281: {  	v1 =	vmul.f32 $5.000000000e-01, v4;
	v41 =	vor.u32 $0x9, v27;
	[tilespmem:v63+s17+$0x0] =	vst.idx.msk $0xffff, v0;
	v0 =	vmul.f32 v7, v36;
	v42 =	vpop (erf)  }
0x282: {  	v43 =	vor.u32 $0xA, v27;
	[tilespmem:v21+s17+$0x0] =	vst.idx.msk $0xffff, v3;
	v3 =	vmul.f32 v7, v42;
	v44 =	vpop (erf)  }
0x283: {  	v2 =	vmul.f32 v40, v1;
	v45 =	vor.u32 $0xB, v27;
	[tilespmem:v24+s17+$0x0] =	vst.idx.msk $0xffff, v0;
	v0 =	vmul.f32 v7, v44;
	v46 =	vpop (erf)  }
0x284: {  	v47 =	vor.u32 $0xC, v27;
	[tilespmem:v26+s17+$0x0] =	vst.idx.msk $0xffff, v3;
	v3 =	vmul.f32 v7, v46;
	v48 =	vpop (erf)  }
0x285: {  	v2 =	vmul.f32 v40, v2;
	v49 =	vor.u32 $0xD, v27;
	[tilespmem:v32+s17+$0x0] =	vst.idx.msk $0xffff, v0;
	v0 =	vmul.f32 v7, v48;
	v50 =	vpop (erf)  }
0x286: {  	v38 =	vmul.f32 $5.000000000e-01, v6;
	v52 =	vor.u32 $0xE, v27;
	[tilespmem:v41+s17+$0x0] =	vst.idx.msk $0xffff, v3;
	v3 =	vmul.f32 v7, v50;
	v53 =	vpop (erf)  }
0x287: {  	v2 =	vsub.f32 $1.500000000e+00, v2;
	v54 =	vor.u32 $0xF, v27;
	[tilespmem:v43+s17+$0x0] =	vst.idx.msk $0xffff, v0;
	v0 =	vmul.f32 v7, v53;
	v56 =	vpop (erf)  }
0x288: {  	v31 =	vmul.f32 v39, v38;
	[tilespmem:v45+s17+$0x0] =	vst.idx.msk $0xffff, v3;
	v3 =	vmul.f32 v7, v56;
	v58 =	vpop (erf)  }
0x289: {  	v2 =	vmul.f32 v40, v2;
	v13 =	vld [tilespmem:$0x1F470];
	[tilespmem:v47+s17+$0x0] =	vst.idx.msk $0xffff, v0;
	v0 =	vmul.f32 v7, v58;
	v60 =	vpop (erf)  }
0x28a: {  	v31 =	vmul.f32 v39, v31;
	v15 =	vld [tilespmem:$0x1FF50];
	[tilespmem:v49+s17+$0x0] =	vst.idx.msk $0xffff, v3;
	v3 =	vmul.f32 v7, v60  }
0x28b: {  	v18 =	vmul.f32 v2, v1;
	v25 =	vld [tilespmem:$0x1FF60];
	[tilespmem:v52+s17+$0x0] =	vst.idx.msk $0xffff, v0  }
0x28c: {  	v31 =	vsub.f32 $1.500000000e+00, v31;
	[tilespmem:v54+s17+$0x0] =	vst.idx.msk $0xffff, v3;
	v3 =	vld [tilespmem:$0x1F480]  }
0x28d: {  	v18 =	vmul.f32 v18, v2  }
0x28e: {  	v16 =	vmul.f32 v39, v31;
	v17 =	vmul.f32 v5, v19  }
0x28f: {  	v8 =	vmul.f32 v23, v13;
	v63 =	vsub.f32 $1.500000000e+00, v18  }
0x290: {  	v20 =	vmul.f32 v16, v38;
	v17 =	vmul.f32 v17, v5  }
0x291: {  	v2 =	vmul.f32 v63, v2;
	v3 =	vmul.f32 v23, v3  }
0x292: {  	[tilespmem:v15+s17+$0x0] =	vst.idx.msk $0xffff, v8;
	v62 =	vsub.f32 $1.500000000e+00, v17;
	v17 =	vmul.f32 v20, v16  }
0x293: {  	[tilespmem:v25+s17+$0x0] =	vst.idx.msk $0xffff, v3;
	v3 =	vmul.f32 v2, v1;
	v1 =	vld [tilespmem:$0x1F4A0]  }
0x294: {  	v14 =	vsub.f32 $1.500000000e+00, v17  }
0x295: {  	v10 =	vmul.f32 v35, v10;
	v3 =	vmul.f32 v3, v2  }
0x296: {  	v59 =	vor.u32 $0xF, v33;
	v27 =	vld [tilespmem:$0x1FF70];
	v11 =	vmul.f32 v14, v16  }
0x297: {  	v55 =	vmul.f32 v10, v37;
	v21 =	vld [tilespmem:$0x1F490];
	v5 =	vmul.f32 v62, v5;
	v3 =	vsub.f32 $1.500000000e+00, v3  }
0x298: {  	[tilespmem:$0x1FED0] =	vst v33;
	v57 =	vor.u32 $0xE, v33;
	v33 =	vmul.f32 v11, v38;
	v38 =	vmul.f32 v23, v1;
	v1 =	vld [tilespmem:$0x1F4B0]  }
0x299: {  	v41 =	vld [tilespmem:$0x1FF90];
	v0 =	vmul.f32 v55, v10;
	v2 =	vmul.f32 v3, v2  }
0x29a: {  	v43 =	vld [tilespmem:$0x1FFA0];
	v22 =	vmul.f32 v5, v19  }
0x29b: {  	v47 =	vld [tilespmem:$0x1FFB0];
	v0 =	vsub.f32 $1.500000000e+00, v0;
	v4 =	vmul.f32 v2, v4;
	v2 =	vor.u32 $0x8, v61  }
0x29c: {  	v7 =	vmul.f32 v23, v21;
	v32 =	vmul.f32 v22, v5;
	[tilespmem:$0x1FF60] =	vst v2;
	v2 =	vld [tilespmem:$0x1FFD0]  }
0x29d: {  	v0 =	vmul.f32 v0, v10;
	v39 =	vmul.f32 v23, v1;
	v1 =	vld [tilespmem:$0x1F4C0];
	_ =	sdelay $0x1  }
0x29e: {  	v36 =	vmul.f32 v0, v37;
	[tilespmem:v27+s17+$0x0] =	vst.idx.msk $0xffff, v7;
	v7 =	vsub.f32 $1.500000000e+00, v32;
	_ =	sdelay $0x1  }
0x29f: {  	v10 =	vmul.f32 v36, v0;
	v5 =	vmul.f32 v7, v5  }
0x2a0: {  	[tilespmem:v41+s17+$0x0] =	vst.idx.msk $0xffff, v38;
	v42 =	vmul.f32 v23, v1  }
0x2a1: {  	v44 =	vmul.f32 v23, v51;
	v3 =	vsub.f32 $1.500000000e+00, v10;
	[tilespmem:v43+s17+$0x0] =	vst.idx.msk $0xffff, v39;
	v1 =	vmul.f32 v5, v34  }
0x2a2: {  	[tilespmem:v47+s17+$0x0] =	vst.idx.msk $0xffff, v42  }
0x2a3: {  	v0 =	vmul.f32 v3, v0;
	[tilespmem:v2+s17+$0x0] =	vst.idx.msk $0xffff, v44;
	v2 =	vmul.f32 $6.283185480e-01, v1  }
0x2a4: {  	v49 =	vmul.f32 $6.283185480e-01, v4  }
0x2a5: {  	v9 =	vmul.f32 v0, v9;
	v0 =	vmul.f32 v2, v2;
	_ =	sdelay $0x1  }
0x2a6: {  	v5 =	vmul.f32 v49, v49;
	v52 =	vmul.f32 $4.779477260e-14, v0  }
0x2a7: {  	v8 =	vmul.f32 v33, v11  }
0x2a8: {  	v53 =	vmul.f32 $4.779477260e-14, v5;
	v10 =	vadd.f32 $-1.147074540e-11, v52  }
0x2a9: {  	v40 =	vsub.f32 $1.500000000e+00, v8  }
0x2aa: {  	v12 =	vadd.f32 $-1.147074540e-11, v53;
	v10 =	vmul.f32 v10, v0  }
0x2ab: {  	v45 =	vmul.f32 v40, v11  }
0x2ac: {  	v12 =	vmul.f32 v12, v5;
	v10 =	vadd.f32 $2.087675590e-09, v10  }
0x2ad: {  	v35 =	vor.u32 $0x5, v61;
	v6 =	vmul.f32 v45, v6  }
0x2ae: {  	v24 =	vor.u32 $0x3, v61;
	v12 =	vadd.f32 $2.087675590e-09, v12;
	v10 =	vmul.f32 v10, v0  }
0x2af: {  	v37 =	vor.u32 $0x6, v61;
	v17 =	vadd.f32 $-3.333333430e-01, v6;
	v18 =	vadd.f32 $-1.666666630e+00, v6  }
0x2b0: {  	v54 =	vadd.f32 $-3.666666750e+00, v6;
	v12 =	vmul.f32 v12, v5;
	v10 =	vadd.f32 $-2.755732000e-07, v10  }
0x2b1: {  	v26 =	vor.u32 $0x4, v61;
	[tilespmem:$0x1FF30] =	vst v37;
	v36 =	vadd.f32 $-2.666666750e+00, v4;
	v37 =	vadd.f32 $-3.000000000e+00, v4  }
0x2b2: {  	v39 =	vadd.f32 $-3.333333250e+00, v4;
	v12 =	vadd.f32 $-2.755732000e-07, v12;
	v10 =	vmul.f32 v10, v0  }
0x2b3: {  	v50 =	vmul.f32 $6.283185480e-01, v6;
	v3 =	vadd.f32 $-3.333333430e-01, v1;
	v48 =	vadd.f32 $-6.666666860e-01, v1  }
0x2b4: {  	v13 =	vadd.f32 $-1.333333370e+00, v1;
	v12 =	vmul.f32 v12, v5;
	v10 =	vadd.f32 $2.480158760e-05, v10  }
0x2b5: {  	v17 =	vmul.f32 v17, v17;
	v11 =	vadd.f32 $-1.666666630e+00, v1;
	v25 =	vadd.f32 $-2.000000000e+00, v1  }
0x2b6: {  	v56 =	vadd.f32 $-2.333333250e+00, v1;
	v12 =	vadd.f32 $2.480158760e-05, v12;
	v10 =	vmul.f32 v10, v0  }
0x2b7: {  	v36 =	vmul.f32 v36, v36;
	v60 =	vadd.f32 $-2.666666750e+00, v1;
	v20 =	vadd.f32 $-3.000000000e+00, v1  }
0x2b8: {  	[tilespmem:$0x1FEF0] =	vst v24;
	v21 =	vadd.f32 $-3.333333250e+00, v1;
	v12 =	vmul.f32 v12, v5;
	v10 =	vadd.f32 $-1.388888920e-03, v10  }
0x2b9: {  	[tilespmem:$0x1F560] =	vst v36;
	v36 =	vmul.f32 v37, v37;
	v22 =	vadd.f32 $-3.666666750e+00, v1;
	v24 =	vadd.f32 $-4.000000000e+00, v1  }
0x2ba: {  	[tilespmem:$0x1FF10] =	vst v26;
	v26 =	vadd.f32 $-4.333333490e+00, v1;
	v12 =	vadd.f32 $-1.388888920e-03, v12;
	v38 =	vmul.f32 v10, v0  }
0x2bb: {  	[tilespmem:$0x1F570] =	vst v36;
	v36 =	vmul.f32 v39, v39;
	v27 =	vadd.f32 $-4.666666510e+00, v1;
	v28 =	vadd.f32 $-5.000000000e+00, v1  }
0x2bc: {  	[tilespmem:$0x1FEE0] =	vst v59;
	v40 =	vmul.f32 v12, v5;
	v12 =	vadd.f32 $-5.000000000e+00, v9;
	v38 =	vadd.f32 $4.166666790e-02, v38  }
0x2bd: {  	vm1 =	vlt.f32 v1, $5.000000000e+00;
	[tilespmem:$0x1F580] =	vst v36;
	v36 =	vmul.f32 v54, v54;
	v54 =	vmul.f32 v1, v1  }
0x2be: {  	[tilespmem:$0x1FEC0] =	vst v57;
	v2 =	vadd.f32 $-1.000000000e+00, v1;
	v1 =	vmul.f32 v12, v12;
	v12 =	vmul.f32 v38, v0  }
0x2bf: {  	v16 =	vadd.f32 $-2.333333250e+00, v6;
	v7 =	vmul.f32 v50, v50;
	[tilespmem:$0x1F5E0] =	vst v17;
	v3 =	vmul.f32 v3, v3  }
0x2c0: {  	v46 =	vor.u32 $0x7, v61;
	v55 =	vadd.f32 $-4.000000000e+00, v6;
	[tilespmem:$0x1F690] =	vst v1;
	v1 =	vadd.f32 $-5.000000000e-01, v12  }
0x2c1: {  	v57 =	vadd.f32 $-4.666666510e+00, v6;
	v16 =	vmul.f32 v16, v16;
	v59 =	vmul.f32 $4.779477260e-14, v7;
	[tilespmem:$0x1F4D0] =	vst v3  }
0x2c2: {  	v58 =	vadd.f32 $-5.000000000e+00, v6;
	vm3 =	vlt.f32 v6, $5.000000000e+00;
	v50 =	vadd.f32 $-2.000000000e+00, v6;
	[tilespmem:$0x1F6F0] =	vst v1;
	v1 =	vld [tilespmem:$0x1F4D0]  }
0x2c3: {  	v17 =	vor.u32 $0xB, v61;
	[tilespmem:$0x1F620] =	vst v16;
	v16 =	vor.u32 $0xE, v61;
	v14 =	vadd.f32 $-1.147074540e-11, v59  }
0x2c4: {  	v50 =	vmul.f32 v50, v50;
	[tilespmem:$0x1F7D0] =	vst v16;
	v16 =	vor.u32 $0xF, v61;
	v51 =	vmul.f32 $6.283185480e-01, v9  }
0x2c5: {  	v14 =	vmul.f32 v14, v7;
	v29 =	vadd.f32 $-3.333333430e-01, v4;
	v30 =	vadd.f32 $-6.666666860e-01, v4  }
0x2c6: {  	v32 =	vadd.f32 $-1.333333370e+00, v4;
	v8 =	vmul.f32 v51, v51;
	v3 =	vmul.f32 v48, v48  }
0x2c7: {  	[tilespmem:$0x1FF20] =	vst v35;
	v33 =	vadd.f32 $-1.666666630e+00, v4;
	v35 =	vadd.f32 $-2.333333250e+00, v4;
	v1 =	vmul.f32 $-2.000000000e+00, v1  }
0x2c8: {  	v41 =	vadd.f32 $-3.666666750e+00, v4;
	v30 =	vmul.f32 v30, v30;
	v19 =	vmul.f32 $4.779477260e-14, v8;
	[tilespmem:$0x1F4E0] =	vst v3  }
0x2c9: {  	v14 =	vadd.f32 $2.087675590e-09, v14;
	v32 =	vmul.f32 v32, v32;
	v33 =	vmul.f32 v33, v33;
	[tilespmem:$0x1F6A0] =	vst v1;
	v1 =	vld [tilespmem:$0x1F4E0]  }
0x2ca: {  	v35 =	vmul.f32 v35, v35;
	v41 =	vmul.f32 v41, v41;
	v19 =	vadd.f32 $-1.147074540e-11, v19  }
0x2cb: {  	v31 =	vadd.f32 $-1.000000000e+00, v4;
	v14 =	vmul.f32 v14, v7;
	v37 =	vmul.f32 v55, v55  }
0x2cc: {  	v45 =	vadd.f32 $-5.000000000e+00, v4;
	[tilespmem:$0x1F590] =	vst v41;
	v41 =	vmul.f32 v57, v57;
	v19 =	vmul.f32 v19, v8  }
0x2cd: {  	[tilespmem:$0x1FFA0] =	vst v17;
	v51 =	vadd.f32 $-2.666666750e+00, v6;
	v55 =	vmul.f32 v4, v4;
	v2 =	vmul.f32 v2, v2  }
0x2ce: {  	[tilespmem:$0x1F7F0] =	vst v16;
	v47 =	vadd.f32 $-6.666666860e-01, v6;
	v19 =	vadd.f32 $2.087675590e-09, v19;
	v1 =	vmul.f32 $-2.000000000e+00, v1  }
0x2cf: {  	v16 =	vmul.f32 $-2.000000000e+00, v33;
	v14 =	vadd.f32 $-2.755732000e-07, v14;
	v34 =	vadd.f32 $-2.000000000e+00, v4;
	[tilespmem:$0x1F4F0] =	vst v2  }
0x2d0: {  	v17 =	vmul.f32 v47, v47;
	v48 =	vadd.f32 $-1.000000000e+00, v6;
	v19 =	vmul.f32 v19, v8;
	[tilespmem:$0x1F6B0] =	vst v1;
	v1 =	vld [tilespmem:$0x1F4F0]  }
0x2d1: {  	v51 =	vmul.f32 v51, v51;
	v2 =	vmul.f32 v13, v13;
	v13 =	vadd.f32 $-2.666666750e+00, v9  }
0x2d2: {  	v37 =	vmul.f32 $-2.000000000e+00, v37;
	[tilespmem:$0x1F5F0] =	vst v17;
	v17 =	vmul.f32 v48, v48;
	v19 =	vadd.f32 $-2.755732000e-07, v19  }
0x2d3: {  	[tilespmem:$0x1FFE0] =	vst v61;
	v14 =	vmul.f32 v14, v7;
	v13 =	vmul.f32 v13, v13;
	v40 =	vadd.f32 $4.166666790e-02, v40  }
0x2d4: {  	v49 =	vadd.f32 $-1.333333370e+00, v6;
	v34 =	vmul.f32 v34, v34;
	[tilespmem:$0x1F600] =	vst v17;
	v19 =	vmul.f32 v19, v8  }
0x2d5: {  	vm2 =	vlt.f32 v4, $5.000000000e+00;
	[tilespmem:$0x1F630] =	vst v13;
	v13 =	vmul.f32 v40, v5;
	v1 =	vmul.f32 $-2.000000000e+00, v1  }
0x2d6: {  	v49 =	vmul.f32 v49, v49;
	v21 =	vmul.f32 v21, v21;
	[tilespmem:$0x1F500] =	vst v2;
	v19 =	vadd.f32 $2.480158760e-05, v19  }
0x2d7: {  	v22 =	vmul.f32 v22, v22;
	v17 =	vor.u32 $0xC, v61;
	[tilespmem:$0x1F6C0] =	vst v1;
	v1 =	vadd.f32 $-5.000000000e-01, v13  }
0x2d8: {  	v14 =	vadd.f32 $2.480158760e-05, v14;
	v2 =	vmul.f32 v11, v11;
	[tilespmem:$0x1FFB0] =	vst v17;
	v19 =	vmul.f32 v19, v8  }
0x2d9: {  	v53 =	vadd.f32 $-3.333333250e+00, v6;
	v24 =	vmul.f32 v24, v24;
	v17 =	vmul.f32 v18, v18;
	[tilespmem:$0x1F700] =	vst v1;
	v1 =	vld [tilespmem:$0x1F500]  }
0x2da: {  	v26 =	vmul.f32 v26, v26;
	[tilespmem:$0x1F510] =	vst v2;
	v63 =	vadd.f32 $-1.388888920e-03, v19;
	v19 =	vadd.f32 $-4.000000000e+00, v4  }
0x2db: {  	v14 =	vmul.f32 v14, v7;
	v2 =	vmul.f32 v25, v25;
	[tilespmem:$0x1F610] =	vst v17;
	v17 =	vor.u32 $0xD, v61  }
0x2dc: {  	v42 =	vadd.f32 $-4.333333490e+00, v4;
	v53 =	vmul.f32 v53, v53;
	[tilespmem:$0x1FFD0] =	vst v17;
	v19 =	vmul.f32 v19, v19  }
0x2dd: {  	v27 =	vmul.f32 v27, v27;
	v62 =	vadd.f32 $-1.388888920e-03, v14;
	v3 =	vadd.f32 $-4.000000000e+00, v9;
	[tilespmem:$0x1F520] =	vst v2  }
0x2de: {  	v53 =	vmul.f32 $-2.000000000e+00, v53;
	[tilespmem:$0x1F5A0] =	vst v19;
	v19 =	vor.u32 $0x9, v61;
	v1 =	vmul.f32 $-2.000000000e+00, v1  }
0x2df: {  	v52 =	vadd.f32 $-3.000000000e+00, v6;
	v43 =	vmul.f32 v62, v7;
	v2 =	vmul.f32 v56, v56;
	[tilespmem:$0x1FF70] =	vst v19  }
0x2e0: {  	v44 =	vadd.f32 $-4.666666510e+00, v4;
	v3 =	vmul.f32 v3, v3;
	v19 =	vmul.f32 v42, v42;
	[tilespmem:$0x1F6D0] =	vst v1;
	v1 =	vld [tilespmem:$0x1F510]  }
0x2e1: {  	v14 =	vadd.f32 $-3.666666750e+00, v9;
	v52 =	vmul.f32 v52, v52;
	[tilespmem:$0x1F530] =	vst v2;
	v2 =	vmul.f32 v60, v60  }
0x2e2: {  	v11 =	vadd.f32 $-3.333333250e+00, v9;
	v18 =	vmul.f32 $-2.000000000e+00, v35;
	[tilespmem:$0x1F5B0] =	vst v19;
	v19 =	vmul.f32 v44, v44  }
0x2e3: {  	v43 =	vadd.f32 $4.166666790e-02, v43;
	v25 =	vadd.f32 $-2.333333250e+00, v9;
	[tilespmem:$0x1F540] =	vst v2;
	v2 =	vmul.f32 v20, v20  }
0x2e4: {  	v33 =	vld [tilespmem:$0x1F590];
	v11 =	vmul.f32 v11, v11;
	[tilespmem:$0x1F5C0] =	vst v19;
	v19 =	vor.u32 $0xA, v61;
	v61 =	vmul.f32 v14, v14  }
0x2e5: {  	v56 =	vadd.f32 $-4.333333490e+00, v6;
	[tilespmem:$0x1F550] =	vst v2;
	v14 =	vmul.f32 v43, v7;
	v1 =	vmul.f32 $-2.000000000e+00, v1  }
0x2e6: {  	v17 =	vmul.f32 $-2.000000000e+00, v34;
	v60 =	vadd.f32 $-6.666666860e-01, v9;
	[tilespmem:$0x1FF90] =	vst v19;
	v19 =	vmul.f32 v45, v45  }
0x2e7: {  	v39 =	vmul.f32 v56, v56;
	v56 =	vmul.f32 v6, v6;
	v35 =	vld [tilespmem:$0x1F5B0];
	[tilespmem:$0x1F6E0] =	vst v1;
	v1 =	vadd.f32 $-5.000000000e-01, v14  }
0x2e8: {  	v6 =	vmul.f32 $-2.000000000e+00, v24;
	v20 =	vadd.f32 $-1.666666630e+00, v9;
	v47 =	vmul.f32 v60, v60;
	[tilespmem:$0x1F5D0] =	vst v19;
	v19 =	vld [tilespmem:$0x1F560]  }
0x2e9: {  	v4 =	vmul.f32 $-2.000000000e+00, v22;
	v22 =	vmul.f32 $-2.000000000e+00, v33;
	v2 =	vadd.f32 $-4.666666510e+00, v9;
	[tilespmem:$0x1F710] =	vst v1;
	v1 =	vld [tilespmem:$0x1F520]  }
0x2ea: {  	[tilespmem:$0x1FF50] =	vst v46;
	v15 =	vadd.f32 $-3.000000000e+00, v9;
	v46 =	vmul.f32 v63, v8;
	v48 =	vmul.f32 v20, v20;
	v38 =	vld [tilespmem:$0x1F5C0]  }
0x2eb: {  	[tilespmem:$0x1F660] =	vst v3;
	v2 =	vmul.f32 v2, v2;
	v44 =	vmul.f32 v25, v25;
	v10 =	vadd.f32 $-4.333333490e+00, v9  }
0x2ec: {  	v46 =	vadd.f32 $4.166666790e-02, v46;
	v24 =	vmul.f32 $-2.000000000e+00, v35;
	v35 =	vmul.f32 $-2.000000000e+00, v52;
	v52 =	vld [tilespmem:$0x1F660]  }
0x2ed: {  	v45 =	vmul.f32 v15, v15;
	v3 =	vmul.f32 v10, v10  }
0x2ee: {  	v15 =	vmul.f32 v46, v8;
	v57 =	vmul.f32 $-2.000000000e+00, v1;
	v1 =	vld [tilespmem:$0x1F530]  }
0x2ef: {  	v19 =	vmul.f32 $-2.000000000e+00, v19;
	v25 =	vmul.f32 $-2.000000000e+00, v38  }
0x2f0: {  	v43 =	vld [tilespmem:$0x1F5E0];
	[tilespmem:$0x1F670] =	vst v3;
	v38 =	vmul.f32 $-2.000000000e+00, v39;
	v39 =	vmul.f32 $-2.000000000e+00, v41  }
0x2f1: {  	v41 =	vmul.f32 $-2.000000000e+00, v48;
	v48 =	vmul.f32 $-2.000000000e+00, v52;
	v52 =	vld [tilespmem:$0x1F670]  }
0x2f2: {  	v13 =	vmul.f32 $-2.000000000e+00, v30;
	v30 =	vmul.f32 $-2.000000000e+00, v49;
	v49 =	vld [tilespmem:$0x1F630]  }
0x2f3: {  	v60 =	vmul.f32 $-2.000000000e+00, v1;
	v1 =	vadd.f32 $-5.000000000e-01, v15;
	v15 =	vmul.f32 $-2.000000000e+00, v32;
	v32 =	vld [tilespmem:$0x1F580]  }
0x2f4: {  	[tilespmem:$0x1F7A0] =	vst v23;
	v34 =	vld [tilespmem:$0x1F5A0];
	v10 =	vmul.f32 $-2.000000000e+00, v27;
	v19 =	vmul.f32 $1.442695020e+00, v19  }
0x2f5: {  	[tilespmem:$0x1F680] =	vst v2;
	v3 =	vmul.f32 $-2.000000000e+00, v21;
	v27 =	vmul.f32 $-2.000000000e+00, v43  }
0x2f6: {  	v46 =	vld [tilespmem:$0x1F620];
	v43 =	vmul.f32 $-2.000000000e+00, v44;
	[tilespmem:$0x1F800] =	vst v19;
	v19 =	vmul.f32 $1.442695020e+00, v53  }
0x2f7: {  	v23 =	vadd.f32 $-2.000000000e+00, v9;
	[tilespmem:$0x1F640] =	vst v11;
	v44 =	vmul.f32 $-2.000000000e+00, v49;
	v49 =	vmul.f32 $-2.000000000e+00, v52;
	v52 =	vld [tilespmem:$0x1F680]  }
0x2f8: {  	v59 =	vadd.f32 $-3.333333430e-01, v9;
	v21 =	vmul.f32 $-2.000000000e+00, v32;
	v32 =	vmul.f32 $-2.000000000e+00, v50;
	v50 =	vld [tilespmem:$0x1F640]  }
0x2f9: {  	vm15 =	vlt.f32 v9, $5.000000000e+00;
	v42 =	vmul.f32 v23, v23;
	v23 =	vmul.f32 $-2.000000000e+00, v34;
	[tilespmem:$0x1F650] =	vst v61;
	v40 =	vld [tilespmem:$0x1F5D0]  }
0x2fa: {  	v62 =	vadd.f32 $-1.000000000e+00, v9;
	v34 =	vmul.f32 $-2.000000000e+00, v51;
	v51 =	vld [tilespmem:$0x1F650];
	[tilespmem:$0x1F810] =	vst v19;
	v19 =	vmul.f32 $1.442695020e+00, v37  }
0x2fb: {  	v63 =	vadd.f32 $-1.333333370e+00, v9;
	v61 =	vmul.f32 v9, v9;
	v9 =	vmul.f32 $-2.000000000e+00, v26  }
0x2fc: {  	v33 =	vmul.f32 $-2.000000000e+00, v46;
	[tilespmem:$0x1F820] =	vst v19;
	v19 =	vmul.f32 $1.442695020e+00, v38  }
0x2fd: {  	v46 =	vmul.f32 $-2.000000000e+00, v50;
	v50 =	vmul.f32 $-2.000000000e+00, v52;
	v52 =	vld [tilespmem:$0x1F690]  }
0x2fe: {  	v26 =	vmul.f32 $-2.000000000e+00, v40;
	[tilespmem:$0x1F830] =	vst v19;
	v19 =	vmul.f32 $1.442695020e+00, v49  }
0x2ff: {  	v40 =	vmul.f32 $-2.000000000e+00, v47;
	v47 =	vmul.f32 $-2.000000000e+00, v51  }
0x300: {  	v51 =	vmul.f32 $-2.000000000e+00, v54;
	[tilespmem:$0x1F8C0] =	vst v19;
	v19 =	vmul.f32 $1.442695020e+00, v50;
	_ =	sdelay $0x1  }
0x301: {  	[tilespmem:$0x1F8E0] =	vst v19;
	v19 =	vmul.f32 $1.442695020e+00, v51;
	v52 =	vmul.f32 $-2.000000000e+00, v52;
	_ =	sdelay $0x1  }
0x302: {  	v54 =	vmul.f32 $-2.000000000e+00, v55;
	[tilespmem:$0x1F8F0] =	vst v19;
	v19 =	vmul.f32 $1.442695020e+00, v52;
	_ =	sdelay $0x1  }
0x303: {  	v55 =	vmul.f32 $-2.000000000e+00, v56;
	[tilespmem:$0x1F900] =	vst v19;
	v19 =	vmul.f32 $1.442695020e+00, v54;
	_ =	sdelay $0x1  }
0x304: {  	[tilespmem:$0x1F910] =	vst v19;
	v19 =	vmul.f32 $1.442695020e+00, v55;
	_ =	sdelay $0x1  }
0x305: {  	[tilespmem:$0x1F920] =	vst v19;
	v19 =	vld [tilespmem:$0x1F6F0];
	_ =	sdelay $0x1  }
0x306: {  	v56 =	vld [tilespmem:$0x1F6A0];
	_ =	sdelay $0x2  }
0x307: {  	v0 =	vmul.f32 v19, v0;
	v19 =	vld [tilespmem:$0x1F700];
	_ =	sdelay $0x1  }
0x308: {  	v56 =	vmul.f32 $1.442695020e+00, v56;
	_ =	sdelay $0x1  }
0x309: {  	[tilespmem:$0x1F730] =	vst v56;
	v56 =	vmul.f32 $-2.000000000e+00, v61;
	v61 =	vld [tilespmem:$0x1F6B0]  }
0x30a: {  	v5 =	vmul.f32 v19, v5;
	v19 =	vld [tilespmem:$0x1F710];
	_ =	sdelay $0x3  }
0x30b: {  	[tilespmem:$0x1F720] =	vst v1  }
0x30c: {  	v61 =	vmul.f32 $1.442695020e+00, v61;
	v7 =	vmul.f32 v19, v7;
	v19 =	vld [tilespmem:$0x1F720];
	_ =	sdelay $0x1  }
0x30d: {  	[tilespmem:$0x1F740] =	vst v61;
	v61 =	vld [tilespmem:$0x1F6C0];
	_ =	sdelay $0x2  }
0x30e: {  	v8 =	vmul.f32 v19, v8;
	v19 =	vld [tilespmem:$0x1F730];
	_ =	sdelay $0x1  }
0x30f: {  	v61 =	vmul.f32 $1.442695020e+00, v61;
	_ =	sdelay $0x1  }
0x310: {  	[tilespmem:$0x1F750] =	vst v61;
	v61 =	vld [tilespmem:$0x1F6D0]  }
0x311: {  	(erf) = vpow2.f32 v19;
	v19 =	vld [tilespmem:$0x1F740];
	_ =	sdelay $0x4  }
0x312: {  	v61 =	vmul.f32 $1.442695020e+00, v61;
	(erf) = vpow2.f32 v19;
	v19 =	vld [tilespmem:$0x1F750];
	_ =	sdelay $0x1  }
0x313: {  	[tilespmem:$0x1F760] =	vst v61;
	v61 =	vld [tilespmem:$0x1F6E0]  }
0x314: {  	v2 =	vld [tilespmem:$0x1F550];
	_ =	sdelay $0x1  }
0x315: {  	(erf) = vpow2.f32 v19;
	v19 =	vld [tilespmem:$0x1F760];
	_ =	sdelay $0x1  }
0x316: {  	v63 =	vmul.f32 v63, v63;
	v61 =	vmul.f32 $1.442695020e+00, v61  }
0x317: {  	v2 =	vmul.f32 $-2.000000000e+00, v2;
	v1 =	vld [tilespmem:$0x1F540]  }
0x318: {  	v63 =	vmul.f32 $-2.000000000e+00, v63;
	v42 =	vmul.f32 $-2.000000000e+00, v42;
	[tilespmem:$0x1F770] =	vst v61  }
0x319: {  	v2 =	vmul.f32 $1.442695020e+00, v2;
	(erf) = vpow2.f32 v19;
	v19 =	vld [tilespmem:$0x1F770]  }
0x31a: {  	v3 =	vmul.f32 $1.442695020e+00, v3;
	v53 =	vmul.f32 $1.442695020e+00, v39  }
0x31b: {  	v39 =	vmul.f32 $1.442695020e+00, v40;
	v40 =	vmul.f32 $1.442695020e+00, v63;
	v0 =	vadd.f32 $1.000000000e+00, v0  }
0x31c: {  	v57 =	vmul.f32 $1.442695020e+00, v57;
	v1 =	vmul.f32 $-2.000000000e+00, v1  }
0x31d: {  	v60 =	vmul.f32 $1.442695020e+00, v60;
	v0 =	vmul.f32 $5.000000000e-01, v0;
	v7 =	vadd.f32 $1.000000000e+00, v7  }
0x31e: {  	v1 =	vmul.f32 $1.442695020e+00, v1;
	(erf) = vpow2.f32 v19  }
0x31f: {  	v0 =	vadd.f32 $5.000000000e-01, v0;
	v7 =	vmul.f32 $5.000000000e-01, v7;
	(erf) = vpow2.f32 v57  }
0x320: {  	v63 =	vmul.f32 $1.442695020e+00, v42;
	(erf) = vpow2.f32 v60  }
0x321: {  	v42 =	vnsel vm1, $0x0, v0;
	v0 =	vadd.f32 $5.000000000e-01, v7;
	(erf) = vpow2.f32 v1  }
0x322: {  	v1 =	vpop (erf);
	(erf) = vpow2.f32 v2  }
0x323: {  	v19 =	vnsel vm3, $0x0, v0;
	v0 =	vld [tilespmem:$0x1F790];
	(erf) = vpow2.f32 v3;
	v3 =	vmul.f32 v42, v1;
	v1 =	vpop (erf)  }
0x324: {  	v60 =	vld [tilespmem:$0x1F7A0];
	v1 =	vmul.f32 v42, v1  }
0x325: {  	[tilespmem:$0x1F940] =	vst v3;
	v3 =	vld [tilespmem:$0x1F7C0]  }
0x326: {  	[tilespmem:$0x1F960] =	vst v1;
	v1 =	vld [tilespmem:$0x1F7E0]  }
0x327: {  	v2 =	vld [tilespmem:$0x1F7B0];
	_ =	sdelay $0x3  }
0x328: {  	v58 =	vmul.f32 v58, v58;
	v0 =	vmul.f32 v60, v0  }
0x329: {  	v62 =	vmul.f32 v62, v62;
	v2 =	vmul.f32 v60, v2  }
0x32a: {  	[tilespmem:v3+s17+$0x0] =	vst.idx.msk $0xffff, v0;
	v0 =	vld [tilespmem:$0x1F7D0]  }
0x32b: {  	v58 =	vmul.f32 $-2.000000000e+00, v58;
	v62 =	vmul.f32 $-2.000000000e+00, v62;
	[tilespmem:v1+s17+$0x0] =	vst.idx.msk $0xffff, v2;
	v1 =	vld [tilespmem:$0x1F7F0];
	_ =	sdelay $0x1  }
0x32c: {  	v37 =	vmul.f32 $1.442695020e+00, v58;
	v58 =	vmul.f32 $1.442695020e+00, v62  }
0x32d: {  	v62 =	vmul.f32 $1.442695020e+00, v41;
	v41 =	vmul.f32 $1.442695020e+00, v43  }
0x32e: {  	v43 =	vmul.f32 $1.442695020e+00, v46;
	v46 =	vmul.f32 $1.442695020e+00, v48;
	v48 =	vmov v0;
	v0 =	vpop (erf)  }
0x32f: {  	v50 =	vmov v1;
	v1 =	vmul.f32 v42, v0  }
0x330: {  	v0 =	vpop (erf)  }
0x331: {  	[tilespmem:$0x1F980] =	vst v1;
	v1 =	vmul.f32 v42, v0  }
0x332: {  	v0 =	vpop (erf)  }
0x333: {  	v4 =	vmul.f32 $1.442695020e+00, v4;
	[tilespmem:$0x1F9A0] =	vst v1;
	v1 =	vmul.f32 v42, v0  }
0x334: {  	v6 =	vmul.f32 $1.442695020e+00, v6;
	v0 =	vpop (erf)  }
0x335: {  	(erf) = vpow2.f32 v4;
	[tilespmem:$0x1F9C0] =	vst v1;
	v1 =	vmul.f32 v42, v0  }
0x336: {  	v9 =	vmul.f32 $1.442695020e+00, v9;
	v0 =	vpop (erf)  }
0x337: {  	(erf) = vpow2.f32 v6;
	[tilespmem:$0x1F9E0] =	vst v1;
	v1 =	vmul.f32 v42, v0  }
0x338: {  	v0 =	vpop (erf)  }
0x339: {  	(erf) = vpow2.f32 v9;
	[tilespmem:$0x1FA00] =	vst v1;
	v1 =	vmul.f32 v42, v0  }
0x33a: {  	v28 =	vmul.f32 v28, v28;
	v0 =	vpop (erf)  }
0x33b: {  	v29 =	vmul.f32 v29, v29;
	[tilespmem:$0x1FA20] =	vst v1;
	v1 =	vmul.f32 v42, v0  }
0x33c: {  	v31 =	vmul.f32 v31, v31;
	v11 =	vmul.f32 $-2.000000000e+00, v28;
	v0 =	vpop (erf)  }
0x33d: {  	v12 =	vmul.f32 $-2.000000000e+00, v29;
	[tilespmem:$0x1FA40] =	vst v1;
	v1 =	vmul.f32 v42, v0  }
0x33e: {  	v11 =	vmul.f32 $1.442695020e+00, v11;
	v10 =	vmul.f32 $1.442695020e+00, v10;
	v0 =	vpop (erf)  }
0x33f: {  	v12 =	vmul.f32 $1.442695020e+00, v12;
	[tilespmem:$0x1FA60] =	vst v1;
	v1 =	vmul.f32 v42, v0  }
0x340: {  	v14 =	vmul.f32 $-2.000000000e+00, v31;
	(erf) = vpow2.f32 v10;
	v0 =	vpop (erf)  }
0x341: {  	v13 =	vmul.f32 $1.442695020e+00, v13;
	[tilespmem:$0x1FA80] =	vst v1;
	v1 =	vmul.f32 v42, v0  }
0x342: {  	v14 =	vmul.f32 $1.442695020e+00, v14;
	(erf) = vpow2.f32 v11;
	v0 =	vpop (erf)  }
0x343: {  	(erf) = vpow2.f32 v12;
	[tilespmem:$0x1FA90] =	vst v1;
	v1 =	vmul.f32 v42, v0  }
0x344: {  	v28 =	vld [tilespmem:$0x1F5F0];
	v15 =	vmul.f32 $1.442695020e+00, v15;
	(erf) = vpow2.f32 v13  }
0x345: {  	v16 =	vmul.f32 $1.442695020e+00, v16;
	(erf) = vpow2.f32 v14;
	[tilespmem:$0x1FAB0] =	vst v1;
	v1 =	vld [tilespmem:$0x1F800]  }
0x346: {  	v17 =	vmul.f32 $1.442695020e+00, v17;
	v20 =	vld [tilespmem:$0x1F570];
	(erf) = vpow2.f32 v15  }
0x347: {  	v18 =	vmul.f32 $1.442695020e+00, v18;
	v5 =	vadd.f32 $1.000000000e+00, v5;
	(erf) = vpow2.f32 v16  }
0x348: {  	v36 =	vmul.f32 $-2.000000000e+00, v36;
	(erf) = vpow2.f32 v17  }
0x349: {  	v5 =	vmul.f32 $5.000000000e-01, v5;
	(erf) = vpow2.f32 v18;
	v0 =	vpop (erf)  }
0x34a: {  	(erf) = vpow2.f32 v1;
	v1 =	vmul.f32 v42, v0  }
0x34b: {  	v28 =	vmul.f32 $-2.000000000e+00, v28;
	v20 =	vmul.f32 $-2.000000000e+00, v20;
	v5 =	vadd.f32 $5.000000000e-01, v5;
	v0 =	vpop (erf)  }
0x34c: {  	v22 =	vmul.f32 $1.442695020e+00, v22;
	v29 =	vld [tilespmem:$0x1F600];
	[tilespmem:$0x1FAD0] =	vst v1;
	v1 =	vmul.f32 v42, v0  }
0x34d: {  	v28 =	vmul.f32 $1.442695020e+00, v28;
	v20 =	vmul.f32 $1.442695020e+00, v20;
	v38 =	vnsel vm2, $0x0, v5;
	v0 =	vpop (erf)  }
0x34e: {  	v23 =	vmul.f32 $1.442695020e+00, v23;
	[tilespmem:$0x1FAE0] =	vst v1;
	v1 =	vmul.f32 v38, v0  }
0x34f: {  	v34 =	vmul.f32 $1.442695020e+00, v34;
	v24 =	vmul.f32 $1.442695020e+00, v24;
	v0 =	vpop (erf)  }
0x350: {  	v35 =	vmul.f32 $1.442695020e+00, v35;
	[tilespmem:$0x1FAF0] =	vst v1;
	v1 =	vmul.f32 v38, v0  }
0x351: {  	v27 =	vmul.f32 $1.442695020e+00, v27;
	v29 =	vmul.f32 $-2.000000000e+00, v29;
	v0 =	vpop (erf)  }
0x352: {  	v31 =	vld [tilespmem:$0x1F610];
	v21 =	vmul.f32 $1.442695020e+00, v21;
	[tilespmem:$0x1FB00] =	vst v1;
	v1 =	vmul.f32 v38, v0  }
0x353: {  	v25 =	vmul.f32 $1.442695020e+00, v25;
	(erf) = vpow2.f32 v20;
	v0 =	vpop (erf)  }
0x354: {  	(erf) = vpow2.f32 v21;
	[tilespmem:$0x1FB10] =	vst v1;
	v1 =	vmul.f32 v38, v0  }
0x355: {  	v26 =	vmul.f32 $1.442695020e+00, v26;
	v29 =	vmul.f32 $1.442695020e+00, v29;
	v0 =	vpop (erf)  }
0x356: {  	v30 =	vmul.f32 $1.442695020e+00, v30;
	[tilespmem:$0x1FB20] =	vst v1;
	v1 =	vmul.f32 v38, v0  }
0x357: {  	v31 =	vmul.f32 $-2.000000000e+00, v31;
	(erf) = vpow2.f32 v22;
	v0 =	vpop (erf)  }
0x358: {  	(erf) = vpow2.f32 v23;
	[tilespmem:$0x1FB30] =	vst v1;
	v1 =	vmul.f32 v38, v0  }
0x359: {  	v31 =	vmul.f32 $1.442695020e+00, v31;
	(erf) = vpow2.f32 v24;
	v0 =	vpop (erf)  }
0x35a: {  	(erf) = vpow2.f32 v25;
	[tilespmem:$0x1FB40] =	vst v1;
	v1 =	vmul.f32 v38, v0  }
0x35b: {  	v55 =	vmul.f32 $1.442695020e+00, v56;
	(erf) = vpow2.f32 v26;
	v0 =	vpop (erf)  }
0x35c: {  	(erf) = vpow2.f32 v27;
	[tilespmem:$0x1FB50] =	vst v1;
	v1 =	vmul.f32 v38, v0;
	v0 =	vpop (erf)  }
0x35d: {  	(erf) = vpow2.f32 v28;
	v56 =	vmul.f32 v38, v0;
	v0 =	vpop (erf)  }
0x35e: {  	(erf) = vpow2.f32 v29;
	[tilespmem:$0x1FB60] =	vst v1;
	v1 =	vmul.f32 v38, v0  }
0x35f: {  	v32 =	vmul.f32 $1.442695020e+00, v32;
	(erf) = vpow2.f32 v30  }
0x360: {  	v33 =	vmul.f32 $1.442695020e+00, v33;
	v0 =	vpop (erf);
	(erf) = vpow2.f32 v31;
	[tilespmem:$0x1FB70] =	vst v1;
	v1 =	vld [tilespmem:$0x1F810]  }
0x361: {  	v52 =	vmul.f32 v38, v0;
	v0 =	vpop (erf);
	(erf) = vpow2.f32 v32  }
0x362: {  	v54 =	vmul.f32 v38, v0;
	v0 =	vpop (erf);
	(erf) = vpow2.f32 v33  }
0x363: {  	v51 =	vmul.f32 v38, v0;
	v0 =	vpop (erf);
	(erf) = vpow2.f32 v34  }
0x364: {  	v34 =	vmul.f32 v38, v0;
	v0 =	vpop (erf);
	(erf) = vpow2.f32 v35  }
0x365: {  	v33 =	vmul.f32 v38, v0;
	v0 =	vpop (erf);
	(erf) = vpow2.f32 v1;
	v1 =	vld [tilespmem:$0x1F820]  }
0x366: {  	v59 =	vmul.f32 v59, v59  }
0x367: {  	v36 =	vmul.f32 $1.442695020e+00, v36  }
0x368: {  	v59 =	vmul.f32 $-2.000000000e+00, v59  }
0x369: {  	s25 =	sadd.s32 $0x5, s25;
	v8 =	vadd.f32 $1.000000000e+00, v8;
	v32 =	vmul.f32 v19, v0;
	v0 =	vpop (erf);
	(erf) = vpow2.f32 v36  }
0x36a: {  	p0 =	slt.u32 s25, $0x2D;
	v31 =	vmul.f32 v19, v0;
	v0 =	vpop (erf);
	(erf) = vpow2.f32 v1;
	v1 =	vld [tilespmem:$0x1F830]  }
.Ltmp0:
0x36b: {  	v45 =	vmul.f32 $-2.000000000e+00, v45;
	v8 =	vmul.f32 $5.000000000e-01, v8;
	(pc) =	sbr.rel @p0 .LBB2_3-.Ltmp0, $4  }
0x36c: {  	_ = 	snop  }
0x36d: {  	v59 =	vmul.f32 $1.442695020e+00, v59;
	v45 =	vmul.f32 $1.442695020e+00, v45;
	v57 =	vadd.f32 $5.000000000e-01, v8  }
0x36e: {  	v47 =	vmul.f32 $1.442695020e+00, v47;
	v44 =	vmul.f32 $1.442695020e+00, v44  }
0x36f: {  	s26 =	sadd.s32 $0x50, s26;
	v61 =	vld [tilespmem:$0x1F780];
	v49 =	vnsel vm15, $0x0, v57;
	v30 =	vmul.f32 v19, v0;
	v0 =	vpop (erf);
	(erf) = vpow2.f32 v1  }
0x370: {  	(erf) = vpow2.f32 v53;
	v1 =	vpop (erf)  }
0x371: {  	(erf) = vpow2.f32 v37;
	v2 =	vpop (erf)  }
0x372: {  	(erf) = vpow2.f32 v59;
	v3 =	vpop (erf)  }
0x373: {  	(erf) = vpow2.f32 v39;
	v4 =	vpop (erf)  }
0x374: {  	(erf) = vpow2.f32 v58;
	v5 =	vpop (erf)  }
0x375: {  	(erf) = vpow2.f32 v40;
	v6 =	vpop (erf)  }
0x376: {  	(erf) = vpow2.f32 v62;
	v7 =	vpop (erf)  }
0x377: {  	(erf) = vpow2.f32 v63;
	v8 =	vpop (erf)  }
0x378: {  	(erf) = vpow2.f32 v41;
	v9 =	vpop (erf)  }
0x379: {  	v15 =	vld [tilespmem:$0x1F8C0];
	(erf) = vpow2.f32 v44;
	v10 =	vpop (erf)  }
0x37a: {  	v16 =	vld [tilespmem:$0x1F8E0];
	(erf) = vpow2.f32 v45;
	v11 =	vpop (erf)  }
0x37b: {  	v17 =	vld [tilespmem:$0x1F900];
	(erf) = vpow2.f32 v43;
	v12 =	vpop (erf)  }
0x37c: {  	v18 =	vld [tilespmem:$0x1F8F0];
	(erf) = vpow2.f32 v47;
	v13 =	vpop (erf)  }
0x37d: {  	(erf) = vpow2.f32 v46;
	v14 =	vpop (erf)  }
0x37e: {  	(erf) = vpow2.f32 v15;
	v15 =	vpop (erf)  }
0x37f: {  	(erf) = vpow2.f32 v16;
	v53 =	vpop (erf)  }
0x380: {  	(erf) = vpow2.f32 v17;
	v57 =	vpop (erf)  }
0x381: {  	(erf) = vpow2.f32 v18;
	v58 =	vpop (erf)  }
0x382: {  	v20 =	vpop (erf)  }
0x383: {  	v21 =	vpop (erf)  }
0x384: {  	v22 =	vpop (erf)  }
0x385: {  	v29 =	vld [tilespmem:$0x1FC90];
	v23 =	vpop (erf)  }
0x386: {  	v24 =	vpop (erf)  }
0x387: {  	v25 =	vpop (erf)  }
0x388: {  	v26 =	vpop (erf)  }
0x389: {  	v27 =	vpop (erf)  }
0x38a: {  	v28 =	vpop (erf)  }
0x38b: {  	v28 =	vmul.f32 v42, v28;
	_ =	sdelay $0x1  }
0x38c: {  	[tilespmem:v29+s17+$0x0] =	vst.idx.msk $0xffff, v28  }
0x38d: {  	v28 =	vld [tilespmem:$0x1F840];
	_ =	sdelay $0x2  }
0x38e: {  	v29 =	vld [tilespmem:$0x1F940];
	_ =	sdelay $0x4  }
0x38f: {  	[tilespmem:v28+s17+$0x0] =	vst.idx.msk $0xffff, v29  }
0x390: {  	v28 =	vld [tilespmem:$0x1F880];
	_ =	sdelay $0x2  }
0x391: {  	v29 =	vld [tilespmem:$0x1F960];
	_ =	sdelay $0x4  }
0x392: {  	[tilespmem:v28+s17+$0x0] =	vst.idx.msk $0xffff, v29  }
0x393: {  	v28 =	vld [tilespmem:$0x1FB80];
	_ =	sdelay $0x2  }
0x394: {  	v29 =	vld [tilespmem:$0x1F980];
	_ =	sdelay $0x4  }
0x395: {  	[tilespmem:v28+s17+$0x0] =	vst.idx.msk $0xffff, v29  }
0x396: {  	v28 =	vld [tilespmem:$0x1FB90];
	_ =	sdelay $0x2  }
0x397: {  	v29 =	vld [tilespmem:$0x1F9A0];
	_ =	sdelay $0x4  }
0x398: {  	[tilespmem:v28+s17+$0x0] =	vst.idx.msk $0xffff, v29  }
0x399: {  	v59 =	vld [tilespmem:$0x1FBA0];
	_ =	sdelay $0x2  }
0x39a: {  	v29 =	vld [tilespmem:$0x1F9C0]  }
0x39b: {  	v28 =	vld [tilespmem:$0x1F910];
	_ =	sdelay $0x3  }
0x39c: {  	[tilespmem:v59+s17+$0x0] =	vst.idx.msk $0xffff, v29  }
0x39d: {  	(erf) = vpow2.f32 v28;
	v28 =	vld [tilespmem:$0x1FBB0];
	_ =	sdelay $0x2  }
0x39e: {  	v29 =	vld [tilespmem:$0x1F9E0];
	_ =	sdelay $0x4  }
0x39f: {  	[tilespmem:v28+s17+$0x0] =	vst.idx.msk $0xffff, v29  }
0x3a0: {  	v28 =	vld [tilespmem:$0x1FBD0];
	_ =	sdelay $0x2  }
0x3a1: {  	v29 =	vld [tilespmem:$0x1FA00];
	_ =	sdelay $0x4  }
0x3a2: {  	[tilespmem:v28+s17+$0x0] =	vst.idx.msk $0xffff, v29  }
0x3a3: {  	v28 =	vld [tilespmem:$0x1FBE0];
	_ =	sdelay $0x2  }
0x3a4: {  	v29 =	vld [tilespmem:$0x1FA20];
	_ =	sdelay $0x4  }
0x3a5: {  	[tilespmem:v28+s17+$0x0] =	vst.idx.msk $0xffff, v29  }
0x3a6: {  	v28 =	vld [tilespmem:$0x1FBF0];
	_ =	sdelay $0x2  }
0x3a7: {  	v29 =	vld [tilespmem:$0x1FA40];
	_ =	sdelay $0x4  }
0x3a8: {  	[tilespmem:v28+s17+$0x0] =	vst.idx.msk $0xffff, v29  }
0x3a9: {  	v28 =	vld [tilespmem:$0x1FC20];
	_ =	sdelay $0x2  }
0x3aa: {  	v29 =	vld [tilespmem:$0x1FA60];
	_ =	sdelay $0x4  }
0x3ab: {  	[tilespmem:v28+s17+$0x0] =	vst.idx.msk $0xffff, v29  }
0x3ac: {  	v28 =	vld [tilespmem:$0x1FC30];
	_ =	sdelay $0x2  }
0x3ad: {  	v29 =	vld [tilespmem:$0x1FA80];
	_ =	sdelay $0x4  }
0x3ae: {  	[tilespmem:v28+s17+$0x0] =	vst.idx.msk $0xffff, v29  }
0x3af: {  	v28 =	vld [tilespmem:$0x1FC40];
	_ =	sdelay $0x2  }
0x3b0: {  	v29 =	vld [tilespmem:$0x1FA90];
	_ =	sdelay $0x4  }
0x3b1: {  	[tilespmem:v28+s17+$0x0] =	vst.idx.msk $0xffff, v29  }
0x3b2: {  	v28 =	vld [tilespmem:$0x1FC70];
	_ =	sdelay $0x2  }
0x3b3: {  	v29 =	vld [tilespmem:$0x1FAB0];
	_ =	sdelay $0x4  }
0x3b4: {  	[tilespmem:v28+s17+$0x0] =	vst.idx.msk $0xffff, v29  }
0x3b5: {  	v29 =	vld [tilespmem:$0x1FC80];
	_ =	sdelay $0x2  }
0x3b6: {  	v35 =	vld [tilespmem:$0x1FAD0];
	_ =	sdelay $0x4  }
0x3b7: {  	[tilespmem:v29+s17+$0x0] =	vst.idx.msk $0xffff, v35  }
0x3b8: {  	v29 =	vld [tilespmem:$0x1FCA0];
	_ =	sdelay $0x2  }
0x3b9: {  	v35 =	vld [tilespmem:$0x1FAE0]  }
0x3ba: {  	v60 =	vpop (erf)  }
0x3bb: {  	v28 =	vmul.f32 v38, v60;
	_ =	sdelay $0x1  }
0x3bc: {  	[tilespmem:v61+s17+$0x0] =	vst.idx.msk $0xffff, v28  }
0x3bd: {  	[tilespmem:v29+s17+$0x0] =	vst.idx.msk $0xffff, v35  }
0x3be: {  	v28 =	vld [tilespmem:$0x1F850];
	_ =	sdelay $0x2  }
0x3bf: {  	v29 =	vld [tilespmem:$0x1FAF0];
	_ =	sdelay $0x4  }
0x3c0: {  	[tilespmem:v28+s17+$0x0] =	vst.idx.msk $0xffff, v29  }
0x3c1: {  	v28 =	vld [tilespmem:$0x1F890];
	_ =	sdelay $0x2  }
0x3c2: {  	v29 =	vld [tilespmem:$0x1FB00];
	_ =	sdelay $0x4  }
0x3c3: {  	[tilespmem:v28+s17+$0x0] =	vst.idx.msk $0xffff, v29  }
0x3c4: {  	v28 =	vld [tilespmem:$0x1FCC0];
	_ =	sdelay $0x2  }
0x3c5: {  	v29 =	vld [tilespmem:$0x1FB10];
	_ =	sdelay $0x4  }
0x3c6: {  	[tilespmem:v28+s17+$0x0] =	vst.idx.msk $0xffff, v29  }
0x3c7: {  	v28 =	vld [tilespmem:$0x1FCD0];
	_ =	sdelay $0x2  }
0x3c8: {  	v29 =	vld [tilespmem:$0x1FB20];
	_ =	sdelay $0x4  }
0x3c9: {  	[tilespmem:v28+s17+$0x0] =	vst.idx.msk $0xffff, v29  }
0x3ca: {  	v62 =	vld [tilespmem:$0x1FCE0];
	_ =	sdelay $0x2  }
0x3cb: {  	v29 =	vld [tilespmem:$0x1FB30]  }
0x3cc: {  	v28 =	vld [tilespmem:$0x1F920];
	_ =	sdelay $0x3  }
0x3cd: {  	[tilespmem:v62+s17+$0x0] =	vst.idx.msk $0xffff, v29  }
0x3ce: {  	(erf) = vpow2.f32 v28;
	v28 =	vld [tilespmem:$0x1FD00];
	_ =	sdelay $0x2  }
0x3cf: {  	v29 =	vld [tilespmem:$0x1FB40];
	_ =	sdelay $0x4  }
0x3d0: {  	[tilespmem:v28+s17+$0x0] =	vst.idx.msk $0xffff, v29  }
0x3d1: {  	v28 =	vld [tilespmem:$0x1FD10];
	_ =	sdelay $0x2  }
0x3d2: {  	v29 =	vld [tilespmem:$0x1FB50];
	_ =	sdelay $0x4  }
0x3d3: {  	[tilespmem:v28+s17+$0x0] =	vst.idx.msk $0xffff, v29  }
0x3d4: {  	v28 =	vld [tilespmem:$0x1FD20];
	_ =	sdelay $0x2  }
0x3d5: {  	v29 =	vld [tilespmem:$0x1FB60];
	_ =	sdelay $0x4  }
0x3d6: {  	[tilespmem:v28+s17+$0x0] =	vst.idx.msk $0xffff, v29  }
0x3d7: {  	v28 =	vld [tilespmem:$0x1FD40];
	_ =	sdelay $0x7  }
0x3d8: {  	[tilespmem:v28+s17+$0x0] =	vst.idx.msk $0xffff, v56  }
0x3d9: {  	v28 =	vld [tilespmem:$0x1FD50];
	_ =	sdelay $0x2  }
0x3da: {  	v29 =	vld [tilespmem:$0x1FB70];
	_ =	sdelay $0x4  }
0x3db: {  	[tilespmem:v28+s17+$0x0] =	vst.idx.msk $0xffff, v29  }
0x3dc: {  	v28 =	vld [tilespmem:$0x1FD60];
	_ =	sdelay $0x7  }
0x3dd: {  	[tilespmem:v28+s17+$0x0] =	vst.idx.msk $0xffff, v52  }
0x3de: {  	v28 =	vld [tilespmem:$0x1FD80];
	_ =	sdelay $0x7  }
0x3df: {  	[tilespmem:v28+s17+$0x0] =	vst.idx.msk $0xffff, v54  }
0x3e0: {  	v28 =	vld [tilespmem:$0x1FD90];
	_ =	sdelay $0x7  }
0x3e1: {  	[tilespmem:v28+s17+$0x0] =	vst.idx.msk $0xffff, v51  }
0x3e2: {  	v29 =	vld [tilespmem:$0x1FDA0];
	_ =	sdelay $0x7  }
0x3e3: {  	[tilespmem:v29+s17+$0x0] =	vst.idx.msk $0xffff, v34  }
0x3e4: {  	v29 =	vld [tilespmem:$0x1FDC0];
	_ =	sdelay $0x7  }
0x3e5: {  	[tilespmem:v29+s17+$0x0] =	vst.idx.msk $0xffff, v33  }
0x3e6: {  	v29 =	vld [tilespmem:$0x1FED0];
	_ =	sdelay $0x4  }
0x3e7: {  	v63 =	vpop (erf)  }
0x3e8: {  	v28 =	vmul.f32 v19, v63;
	_ =	sdelay $0x1  }
0x3e9: {  	[tilespmem:v29+s17+$0x0] =	vst.idx.msk $0xffff, v28  }
0x3ea: {  	v28 =	vld [tilespmem:$0x1F860];
	_ =	sdelay $0x7  }
0x3eb: {  	[tilespmem:v28+s17+$0x0] =	vst.idx.msk $0xffff, v32  }
0x3ec: {  	v28 =	vld [tilespmem:$0x1F8A0];
	_ =	sdelay $0x7  }
0x3ed: {  	[tilespmem:v28+s17+$0x0] =	vst.idx.msk $0xffff, v31  }
0x3ee: {  	v28 =	vld [tilespmem:$0x1FDD0];
	_ =	sdelay $0x7  }
0x3ef: {  	[tilespmem:v28+s17+$0x0] =	vst.idx.msk $0xffff, v30  }
0x3f0: {  	v28 =	vld [tilespmem:$0x1FDE0];
	_ =	sdelay $0x5  }
0x3f1: {  	v0 =	vmul.f32 v19, v0;
	_ =	sdelay $0x1  }
0x3f2: {  	[tilespmem:v28+s17+$0x0] =	vst.idx.msk $0xffff, v0  }
0x3f3: {  	v32 =	vld [tilespmem:$0x1FE00];
	_ =	sdelay $0x5  }
0x3f4: {  	v1 =	vmul.f32 v19, v1;
	_ =	sdelay $0x1  }
0x3f5: {  	[tilespmem:v32+s17+$0x0] =	vst.idx.msk $0xffff, v1  }
0x3f6: {  	v31 =	vmul.f32 v19, v2;
	v2 =	vld [tilespmem:$0x1FE10];
	_ =	sdelay $0x7  }
0x3f7: {  	[tilespmem:v2+s17+$0x0] =	vst.idx.msk $0xffff, v31  }
0x3f8: {  	v2 =	vld [tilespmem:$0x1FE20];
	_ =	sdelay $0x5  }
0x3f9: {  	v33 =	vmul.f32 v19, v3;
	_ =	sdelay $0x1  }
0x3fa: {  	[tilespmem:v2+s17+$0x0] =	vst.idx.msk $0xffff, v33  }
0x3fb: {  	v2 =	vld [tilespmem:$0x1FE40];
	_ =	sdelay $0x5  }
0x3fc: {  	v34 =	vmul.f32 v19, v4;
	_ =	sdelay $0x1  }
0x3fd: {  	[tilespmem:v2+s17+$0x0] =	vst.idx.msk $0xffff, v34  }
0x3fe: {  	v2 =	vld [tilespmem:$0x1FE50];
	_ =	sdelay $0x5  }
0x3ff: {  	v35 =	vmul.f32 v19, v5;
	_ =	sdelay $0x1  }
0x400: {  	[tilespmem:v2+s17+$0x0] =	vst.idx.msk $0xffff, v35  }
0x401: {  	v2 =	vld [tilespmem:$0x1FE60];
	_ =	sdelay $0x5  }
0x402: {  	v36 =	vmul.f32 v19, v6;
	_ =	sdelay $0x1  }
0x403: {  	[tilespmem:v2+s17+$0x0] =	vst.idx.msk $0xffff, v36  }
0x404: {  	v2 =	vld [tilespmem:$0x1FE80];
	_ =	sdelay $0x5  }
0x405: {  	v37 =	vmul.f32 v19, v7;
	_ =	sdelay $0x1  }
0x406: {  	[tilespmem:v2+s17+$0x0] =	vst.idx.msk $0xffff, v37  }
0x407: {  	v2 =	vld [tilespmem:$0x1FE90];
	_ =	sdelay $0x5  }
0x408: {  	v38 =	vmul.f32 v19, v8;
	_ =	sdelay $0x1  }
0x409: {  	[tilespmem:v2+s17+$0x0] =	vst.idx.msk $0xffff, v38  }
0x40a: {  	v2 =	vld [tilespmem:$0x1FEA0];
	_ =	sdelay $0x5  }
0x40b: {  	v39 =	vmul.f32 v19, v9;
	_ =	sdelay $0x1  }
0x40c: {  	[tilespmem:v2+s17+$0x0] =	vst.idx.msk $0xffff, v39  }
0x40d: {  	v43 =	vld [tilespmem:$0x1FEC0];
	_ =	sdelay $0x5  }
0x40e: {  	v40 =	vmul.f32 v19, v10;
	_ =	sdelay $0x1  }
0x40f: {  	[tilespmem:v43+s17+$0x0] =	vst.idx.msk $0xffff, v40  }
0x410: {  	v45 =	vld [tilespmem:$0x1FEE0];
	_ =	sdelay $0x4  }
0x411: {  	(erf) = vpow2.f32 v55  }
0x412: {  	v41 =	vmul.f32 v19, v11;
	_ =	sdelay $0x1  }
0x413: {  	[tilespmem:v45+s17+$0x0] =	vst.idx.msk $0xffff, v41  }
0x414: {  	v2 =	vld [tilespmem:$0x1FFE0];
	_ =	sdelay $0x4  }
0x415: {  	v42 =	vpop (erf)  }
0x416: {  	v44 =	vmul.f32 v49, v42;
	_ =	sdelay $0x1  }
0x417: {  	[tilespmem:v2+s17+$0x0] =	vst.idx.msk $0xffff, v44  }
0x418: {  	v2 =	vld [tilespmem:$0x1F870];
	_ =	sdelay $0x5  }
0x419: {  	v46 =	vmul.f32 v49, v12;
	_ =	sdelay $0x1  }
0x41a: {  	[tilespmem:v2+s17+$0x0] =	vst.idx.msk $0xffff, v46  }
0x41b: {  	v2 =	vld [tilespmem:$0x1F8B0];
	_ =	sdelay $0x5  }
0x41c: {  	v47 =	vmul.f32 v49, v13;
	_ =	sdelay $0x1  }
0x41d: {  	[tilespmem:v2+s17+$0x0] =	vst.idx.msk $0xffff, v47  }
0x41e: {  	v2 =	vld [tilespmem:$0x1FEF0];
	_ =	sdelay $0x5  }
0x41f: {  	v51 =	vmul.f32 v49, v14;
	_ =	sdelay $0x1  }
0x420: {  	[tilespmem:v2+s17+$0x0] =	vst.idx.msk $0xffff, v51  }
0x421: {  	v2 =	vld [tilespmem:$0x1FF10];
	_ =	sdelay $0x5  }
0x422: {  	v52 =	vmul.f32 v49, v15;
	_ =	sdelay $0x1  }
0x423: {  	[tilespmem:v2+s17+$0x0] =	vst.idx.msk $0xffff, v52  }
0x424: {  	v2 =	vld [tilespmem:$0x1FF20];
	_ =	sdelay $0x5  }
0x425: {  	v53 =	vmul.f32 v49, v53;
	_ =	sdelay $0x1  }
0x426: {  	[tilespmem:v2+s17+$0x0] =	vst.idx.msk $0xffff, v53  }
0x427: {  	v2 =	vld [tilespmem:$0x1FF30];
	_ =	sdelay $0x5  }
0x428: {  	v54 =	vmul.f32 v49, v57;
	_ =	sdelay $0x1  }
0x429: {  	[tilespmem:v2+s17+$0x0] =	vst.idx.msk $0xffff, v54  }
0x42a: {  	v2 =	vld [tilespmem:$0x1FF50];
	_ =	sdelay $0x5  }
0x42b: {  	v55 =	vmul.f32 v49, v58;
	_ =	sdelay $0x1  }
0x42c: {  	[tilespmem:v2+s17+$0x0] =	vst.idx.msk $0xffff, v55  }
0x42d: {  	v2 =	vld [tilespmem:$0x1FF60];
	_ =	sdelay $0x5  }
0x42e: {  	v56 =	vmul.f32 v49, v20;
	_ =	sdelay $0x1  }
0x42f: {  	[tilespmem:v2+s17+$0x0] =	vst.idx.msk $0xffff, v56  }
0x430: {  	v2 =	vld [tilespmem:$0x1FF70];
	_ =	sdelay $0x5  }
0x431: {  	v57 =	vmul.f32 v49, v21;
	_ =	sdelay $0x1  }
0x432: {  	[tilespmem:v2+s17+$0x0] =	vst.idx.msk $0xffff, v57  }
0x433: {  	v2 =	vld [tilespmem:$0x1FF90];
	_ =	sdelay $0x5  }
0x434: {  	v58 =	vmul.f32 v49, v22;
	_ =	sdelay $0x1  }
0x435: {  	[tilespmem:v2+s17+$0x0] =	vst.idx.msk $0xffff, v58  }
0x436: {  	v2 =	vld [tilespmem:$0x1FFA0];
	_ =	sdelay $0x5  }
0x437: {  	v59 =	vmul.f32 v49, v23;
	_ =	sdelay $0x1  }
0x438: {  	[tilespmem:v2+s17+$0x0] =	vst.idx.msk $0xffff, v59  }
0x439: {  	v2 =	vld [tilespmem:$0x1FFB0];
	_ =	sdelay $0x5  }
0x43a: {  	v60 =	vmul.f32 v49, v24;
	_ =	sdelay $0x1  }
0x43b: {  	[tilespmem:v2+s17+$0x0] =	vst.idx.msk $0xffff, v60  }
0x43c: {  	v2 =	vld [tilespmem:$0x1FFD0];
	_ =	sdelay $0x5  }
0x43d: {  	v61 =	vmul.f32 v49, v25  }
0x43e: {  	v62 =	vmul.f32 v49, v26  }
0x43f: {  	p0 =	seq.s32 s24, $0x7C;
	v63 =	vmul.f32 v49, v27;
	[tilespmem:v2+s17+$0x0] =	vst.idx.msk $0xffff, v61  }
0x440: {  	s24 =	sadd.s32 @!p0 $0x1, s24;
	[tilespmem:v48+s17+$0x0] =	vst.idx.msk $0xffff, v62  }
0x441: {  	s25 =	smul.u32 @!p0 $0x320, s24;
	[tilespmem:v50+s17+$0x0] =	vst.idx.msk $0xffff, v63  }
0x442: {  	[spmem:s2] =	stream.indirect.scatter.add.f32 [tilespmem:s17], [sflag:$0x3], $0x10, s13, s16, $0xb8;
	[tilespmem:$0x1F140] =	vst v63  }
0x443: {  	s25 =	sadd.s32 @!p0 s7, s25;
	_ =	swait.ge [sflag:s14], $0x3200  }
0x444: {  	s28 =	simm.s32 @!p0 $0x0;
	s25 =	sshrl.u32 @!p0 s25, $0x3;
	[sflag:s14] =	ssyncset.done $0x0  }
0x445: {  	s29 =	simm.s32 @!p0 $0x18700;
	s26 =	sadd.s32 @!p0 s5, s25;
	[sflag:s14] =	ssyncadd.s32 $0xFFFFCE00  }
0x446: {  	[tilespmem:s29], [sflag:$0x3] =	stream.linear.gather @!p0 [hbm4b:s26+s28], $0x320, $0x38;
	[tilespmem:$0x1F140] =	vst v63  }
0x447: {  	s26 =	simm.s32 @!p0 $0x3  }
0x448: {  	_ =	swait.ge @!p0 [sflag:s26], $0x320  }
0x449: {  	[sflag:s26] =	ssyncset.done @!p0 $0x0  }
0x44a: {  	s30 =	simm.s32 @!p0 $0x18A20;
	s25 =	sadd.s32 @!p0 s6, s25;
	[sflag:s26] =	ssyncadd.s32 @!p0 $0xFFFFFCE0  }
0x44b: {  	[tilespmem:s30], [sflag:$0x3] =	stream.linear.gather @!p0 [hbm4b:s25+s28], $0x320, $0x38;
	[tilespmem:$0x1F140] =	vst v63  }
0x44c: {  	_ =	swait.ge @!p0 [sflag:s26], $0x320  }
0x44d: {  	[sflag:s26] =	ssyncset.done @!p0 $0x0  }
0x44e: {  	s25 =	simm.s32 @!p0 $0x320;
	[sflag:s26] =	ssyncadd.s32 @!p0 $0xFFFFFCE0;
	s26 =	simm.s32 @!p0 $0x18D40  }
0x44f: {  	[tilespmem:s26], [sflag:$0x1] =	stream.indirect.gather @!p0 [hbm4b:s4+s25], $0x10, s29, s25, $0xb8;
	[tilespmem:$0x1F140] =	vst v63  }
0x450: {  	p1 =	sne.s32 @!p0 s24, $0x7D;
	s26 =	simm.s32 @!p0 $0x1BF40  }
0x451: {  	[tilespmem:s26], [sflag:$0x2] =	stream.indirect.gather @!p0 [hbm4b:s4+s25], $0x10, s30, s25, $0xb8;
	[tilespmem:$0x1F140] =	vst v63  }
0x452: {  	p0 =	por p0, !p1  }
.Ltmp1:
0x453: {  	_ = 	snop;
	(pc) =	sbr.rel @!p0 .LBB2_2-.Ltmp1, $2  }
0x454: {  	_ =	sdelay $0x1  }
0x455: {  	v10 =	vld [tilespmem:$0x1FFF0];
	_ =	sdelay $0x1  }
0x456: {  	s23 =	sadd.s32 $0x1, s23  }
0x457: {  	p0 =	sne.s32 s23, s12  }
.Ltmp2:
0x458: {  	[bflag:$0x0] =	sbarrier.arrive $0xFFFF;
	(pc) =	sbr.rel @p0 .LBB2_1-.Ltmp2, $4  }
0x459: {  	[hbm:s11], [sflag:s19] =	dma.local [spmem:s20], $0x30E0  }
0x45a: {  	_ =	swait.ge [sflag:s14], $0x30E0  }
0x45b: {  	[sflag:s14] =	ssyncset.done $0x0  }
0x45c: {  	[sflag:s14] =	ssyncadd.s32 $0xFFFFCF20  }
0x45d: {  	_ =	sfence.sel $0x180000  }
0x45e: {  	[bflag:$0x0] =	sbarrier.arrive $0xFFFF  }
0x45f: {  	p0 =	sne.s32 s1, $0x0;
	_ =	strace $0x90000047  }
0x460: {  	s0 =	sadd.s32 @!p0 $0x100000, s0;
	[bflag:$0x2] =	sbarrier.arrive $0xFFFF  }
0x461: {  	[sflag:s0] =	ssyncadd.tile.s32 @!p0 $0x1;
	_ =	shalt  }
.Lfunc_end2:
_tile_overlayer_lowered:
.L_overlay_start_2:
0x462: {  	(tag) =	ssettag $0x2  }
0x463: {  	s0 =	rddreg [dreg:$0x0];
	s2 =	stileid.u32  }
0x464: {  	s1 =	rddreg [dreg:$0x1];
	p0 =	sne.s32 s2, $0x0  }
0x465: {  	s3 =	rddreg [dreg:$0x2];
	[bflag:$0x3] =	sbarrier.arrive $0xFFFF;
	s2 =	simm.s32 @!p0 $0x1C03  }
0x466: {  	[timem:s3], [sflag:s2] =	dma.local @!p0 [hbm:s0], s1  }
0x467: {  	s0 =	simm.s32 @!p0 $0x3  }
0x468: {  	_ =	swait.ge @!p0 [sflag:s0], s1  }
0x469: {  	s1 =	ssub.s32 @!p0 $0x0, s1;
	[sflag:s0] =	ssyncset.done @!p0 $0x0  }
0x46a: {  	[sflag:s0] =	ssyncadd.s32 @!p0 s1  }
0x46b: {  	[bflag:$0x3] =	sbarrier.arrive $0xFFFF  }
0x46c: {  	_ =	shalt  }

</sc_bundles>
